<compile_context>
chip_gen: v7x
topology: tpu7x:2x2x1
jax: 0.10.2.dev20260603
libtpu: 0.0.44.dev20260713+nightly
codegen_flags: <defaults>
</compile_context>

<pallas_src>
import functools

import jax
import jax.numpy as jnp
from jax import lax
from jax.experimental import pallas as pl
from jax.experimental.pallas import tpu as pltpu
from jax.experimental.pallas import tpu_sc as plsc

NE = 10000
NR = 10000
NP = 10240
H = 128
E = 320000
NC = 2
NS = 16
NW = NC * NS
K = 128
HR = NP // NC
TRASH = HR
AR = HR + 8
WPT = HR // NS
CH = 157
EPT = CH * K
EPP = EPT * NS
CPR = K // 16
CW = 16
ZR = 80
CV = 5152

_mesh = plsc.VectorSubcoreMesh(core_axis_name="c", subcore_axis_name="s")


def _zero_vmem(ref, rows, width):
    z = jnp.zeros((16,), jnp.float32)
    cpr = width // 16

    def st(i, carry):
        ref[i // cpr, pl.ds((i % cpr) * 16, 16)] = z
        return carry

    lax.fori_loop(0, rows * cpr, st, 0)


@functools.partial(
    pl.kernel,
    mesh=_mesh,
    out_type=jax.ShapeDtypeStruct((NP, H), jnp.float32),
    scratch_types=[
        pltpu.VMEM((CH, K), jnp.int32),
        pltpu.VMEM((CH, K), jnp.int32),
        pltpu.VMEM((K,), jnp.int32),
        pltpu.VMEM((K,), jnp.int32),
        pltpu.VMEM((K,), jnp.int32),
        pltpu.VMEM((K,), jnp.int32),
        pltpu.VMEM((ZR,), jnp.int32),
        pltpu.VMEM((K, H), jnp.float32),
        pltpu.VMEM((K, H), jnp.float32),
        pltpu.VMEM((ZR, H), jnp.float32),
        pltpu.VMEM_SHARED((AR, H), jnp.float32),
        pltpu.SemaphoreType.DMA,
        pltpu.SemaphoreType.DMA,
    ],
)
def _sc_seg_sum(src_hbm, dst_hbm, tab_hbm, out_hbm,
                sidx_v, didx_v, sidx_c, didx_c, sidx_c1, didx_c1, ridx_c,
                rows_v, rows_v1, zbuf, acc_sh, sem, sem1):
    cid = lax.axis_index("c")
    sid = lax.axis_index("s")

    _zero_vmem(zbuf, ZR, H)

    pltpu.sync_copy(src_hbm.at[sid], sidx_v)
    pltpu.sync_copy(dst_hbm.at[sid], didx_v)

    lanes = jnp.arange(16, dtype=jnp.int32)

    def fill_ridx(start):
        def fi(i, carry):
            ridx_c[pl.ds(i * 16, 16)] = start + i * 16 + lanes
            return carry

        lax.fori_loop(0, ZR // 16, fi, 0)

    def zchunk(j, carry):
        fill_ridx(sid * WPT + j * ZR)
        pltpu.sync_copy(zbuf, acc_sh.at[ridx_c])
        return carry

    lax.fori_loop(0, WPT // ZR, zchunk, 0)
    plsc.subcore_barrier()

    base = cid * HR

    def prep(c, sbuf, dbuf):
        def pi(i, carry2):
            col = pl.ds(i * 16, 16)
            sbuf[col] = sidx_v[c, col]
            d = didx_v[c, col] - base
            ok = jnp.logical_and(d >= 0, d < HR)
            dbuf[col] = jnp.where(ok, d, TRASH)
            return carry2

        lax.fori_loop(0, CPR, pi, 0)

    prep(0, sidx_c, didx_c)
    pltpu.async_copy(tab_hbm.at[sidx_c], rows_v, sem)

    def chunk2(p, carry):
        c = 1 + 2 * p
        prep(c, sidx_c1, didx_c1)
        pltpu.async_copy(tab_hbm.at[sidx_c1], rows_v1, sem1)
        pltpu.make_async_copy(tab_hbm.at[sidx_c], rows_v, sem).wait()
        pltpu.sync_copy(rows_v, acc_sh.at[didx_c], add=True)
        prep(c + 1, sidx_c, didx_c)
        pltpu.async_copy(tab_hbm.at[sidx_c], rows_v, sem)
        pltpu.make_async_copy(tab_hbm.at[sidx_c1], rows_v1, sem1).wait()
        pltpu.sync_copy(rows_v1, acc_sh.at[didx_c1], add=True)
        return carry

    lax.fori_loop(0, (CH - 1) // 2, chunk2, 0)
    pltpu.make_async_copy(tab_hbm.at[sidx_c], rows_v, sem).wait()
    pltpu.sync_copy(rows_v, acc_sh.at[didx_c], add=True)
    plsc.subcore_barrier()

    def wchunk(j, carry):
        fill_ridx(sid * WPT + j * ZR)
        pltpu.async_copy(acc_sh.at[ridx_c], zbuf, sem).wait()
        pltpu.sync_copy(
            zbuf, out_hbm.at[pl.ds(cid * HR + sid * WPT + j * ZR, ZR)])
        return carry

    lax.fori_loop(0, WPT // ZR, wchunk, 0)


BR = 1024


def _tc_update_body(p_ref, c_ref, told_ref, wm_ref, bm_ref, ws_ref, bs_ref,
                    upd_ref, nupd_ref):
    cnt = c_ref[:, 0:1]
    mean = p_ref[...] / jnp.maximum(cnt, 1.0)
    msg = lax.dot_general(mean, wm_ref[...], (((1,), (1,)), ((), ())),
                          preferred_element_type=jnp.float32) + bm_ref[...]
    msg = jnp.maximum(msg, 0.0)
    told = told_ref[...]
    own = lax.dot_general(told, ws_ref[...], (((1,), (1,)), ((), ())),
                          preferred_element_type=jnp.float32) + bs_ref[...]
    upd = jnp.where(cnt > 0.0, 0.5 * msg + 0.5 * own, told)
    upd_ref[...] = upd
    norm = jnp.sqrt(jnp.sum(upd * upd, axis=1, keepdims=True))
    nupd_ref[...] = upd / jnp.maximum(norm, 1e-12)


def _tc_update(sums, cnts, told, wm, bm, ws, bs):
    n = told.shape[0]
    full = pl.BlockSpec((BR, H), lambda i: (i, 0))
    return pl.pallas_call(
        _tc_update_body,
        grid=(n // BR,),
        in_specs=[
            full,
            pl.BlockSpec((BR, CW), lambda i: (i, 0)),
            full,
            pl.BlockSpec((H, H), lambda i: (0, 0)),
            pl.BlockSpec((1, H), lambda i: (0, 0)),
            pl.BlockSpec((H, H), lambda i: (0, 0)),
            pl.BlockSpec((1, H), lambda i: (0, 0)),
        ],
        out_specs=(full, full),
        out_shape=(jax.ShapeDtypeStruct((n, H), jnp.float32),
                   jax.ShapeDtypeStruct((n, H), jnp.float32)),
    )(sums, cnts, told, wm, bm.reshape(1, H), ws, bs.reshape(1, H))


def _tc_norm_body(x_ref, o_ref):
    x = x_ref[...]
    norm = jnp.sqrt(jnp.sum(x * x, axis=1, keepdims=True))
    o_ref[...] = x / jnp.maximum(norm, 1e-12)


def _tc_norm(x):
    n = x.shape[0]
    return pl.pallas_call(
        _tc_norm_body,
        grid=(n // BR,),
        in_specs=[pl.BlockSpec((BR, H), lambda i: (i, 0))],
        out_specs=pl.BlockSpec((BR, H), lambda i: (i, 0)),
        out_shape=jax.ShapeDtypeStruct((n, H), jnp.float32),
    )(x)


def kernel(index_list, ent_emb, rel_emb, w_r_w, w_r_b, w_u2r_w, w_u2r_b,
           w_u_w, w_u_b, w_r2u_w, w_r2u_b):
    u_flat = index_list[0, 0]
    r_flat = index_list[0, 1]
    pad_src = jnp.zeros((EPP - E,), jnp.int32)
    pad_dst = jnp.full((EPP - E,), NP, jnp.int32)
    u_src = jnp.concatenate([u_flat, pad_src]).reshape(NS, CH, K)
    u_dst = jnp.concatenate([u_flat, pad_dst]).reshape(NS, CH, K)
    r_src = jnp.concatenate([r_flat, pad_src]).reshape(NS, CH, K)
    r_dst = jnp.concatenate([r_flat, pad_dst]).reshape(NS, CH, K)

    pad_e = jnp.zeros((NP - NE, H), jnp.float32)
    pad_r = jnp.zeros((NP - NR, H), jnp.float32)
    g_h = _tc_norm(jnp.concatenate([ent_emb, pad_e], axis=0))
    g_h_0 = _tc_norm(jnp.concatenate([rel_emb, pad_r], axis=0))

    ones_tab = jnp.ones((NP, H), jnp.float32)
    xs = (
        jnp.stack([u_src, r_src, u_src, r_src, u_src, r_src]),
        jnp.stack([r_dst, u_dst, r_dst, u_dst, r_dst, u_dst]),
        jnp.stack([w_u2r_w, w_r2u_w, w_u2r_w, w_r2u_w, w_u2r_w, w_r2u_w]),
        jnp.stack([w_u2r_b, w_r2u_b, w_u2r_b, w_r2u_b, w_u2r_b, w_r2u_b]),
        jnp.stack([w_r_w, w_u_w, w_r_w, w_u_w, w_r_w, w_u_w]),
        jnp.stack([w_r_b, w_u_b, w_r_b, w_u_b, w_r_b, w_u_b]),
        jnp.array([False, True, False, True, False, True]),
        jnp.array([True, True, False, False, False, False]),
    )

    def body(carry, x):
        g_h_c, g_h_0_c, last_upd, cnt_r_c, cnt_u_c = carry
        src3, dst3, wm, bm, ws, bs, ent_phase, cnt_phase = x
        table = jnp.where(cnt_phase, ones_tab,
                          jnp.where(ent_phase, last_upd, g_h_c))
        told = jnp.where(ent_phase, g_h_c, g_h_0_c)
        sums = _sc_seg_sum(src3, dst3, table)
        cntmat = sums[:, :CW]
        cnt_r_n = jnp.where(jnp.logical_and(cnt_phase, ~ent_phase),
                            cntmat, cnt_r_c)
        cnt_u_n = jnp.where(jnp.logical_and(cnt_phase, ent_phase),
                            cntmat, cnt_u_c)
        cnt = jnp.where(ent_phase, cnt_u_n, cnt_r_n)
        upd, nupd = _tc_update(sums, cnt, told, wm, bm, ws, bs)
        g_h_n = jnp.where(cnt_phase, g_h_c,
                          jnp.where(ent_phase, nupd, g_h_c))
        g_h_0_n = jnp.where(cnt_phase, g_h_0_c,
                            jnp.where(ent_phase, g_h_0_c, nupd))
        upd_n = jnp.where(cnt_phase, last_upd, upd)
        return (g_h_n, g_h_0_n, upd_n, cnt_r_n, cnt_u_n), None

    (g_h, g_h_0, _, _, _), _ = lax.scan(
        body,
        (g_h, g_h_0, jnp.zeros((NP, H), jnp.float32),
         jnp.zeros((NP, CW), jnp.float32), jnp.zeros((NP, CW), jnp.float32)),
        xs)

    return g_h[:NE]

# --- scband reference (transcript-rebuilt; emitter-appended) ---
"""Pipeline reference for scband-hnn-80384607912348 (READ-ONLY COPY).

The authoritative reference and input builder live on the scoring server;
editing this copy changes nothing except your own understanding.
"""

import jax, jax.numpy as jnp
import numpy as np

NUM_ENTS = 10000
NUM_RELS = 5000
HIDDEN = 128
LAYERS = 2
E = 320000


def _normalize(x, eps=1e-12):
    n = jnp.linalg.norm(x, axis=1, keepdims=True)
    return x / jnp.maximum(n, eps)


def _scatter_mean(src, idx, size):
    s = jax.ops.segment_sum(src, idx, num_segments=size)
    c = jax.ops.segment_sum(jnp.ones((src.shape[0],), src.dtype), idx, num_segments=size)
    return s / jnp.maximum(c, 1.0)[:, None]


def setup_inputs(seed: int = 0):
    key = jax.random.key(seed)
    ks = jax.random.split(key, 8)
    index_list = jax.random.randint(ks[0], (1, 2, E), 0, NUM_ENTS, dtype=jnp.int32)
    ent_emb = jax.random.normal(ks[1], (NUM_ENTS, HIDDEN), jnp.float32)
    rel_emb = jax.random.normal(ks[2], (2 * NUM_RELS, HIDDEN), jnp.float32)
    sc = 1.0 / np.sqrt(HIDDEN)
    def lin(k):
        kw, kb = jax.random.split(k)
        W = jax.random.uniform(kw, (HIDDEN, HIDDEN), jnp.float32, -sc, sc)
        b = jax.random.uniform(kb, (HIDDEN,), jnp.float32, -sc, sc)
        return W, b
    w_r_w, w_r_b = lin(ks[3])
    w_u2r_w, w_u2r_b = lin(ks[4])
    w_u_w, w_u_b = lin(ks[5])
    w_r2u_w, w_r2u_b = lin(ks[6])
    return {
        "index_list": index_list,
        "ent_emb": ent_emb,
        "rel_emb": rel_emb,
        "w_r_w": w_r_w, "w_r_b": w_r_b,
        "w_u2r_w": w_u2r_w, "w_u2r_b": w_u2r_b,
        "w_u_w": w_u_w, "w_u_b": w_u_b,
        "w_r2u_w": w_r2u_w, "w_r2u_b": w_r2u_b,
    }


def reference(index_list, ent_emb, rel_emb, w_r_w, w_r_b, w_u2r_w, w_u2r_b, w_u_w, w_u_b, w_r2u_w, w_r2u_b):
    index = index_list[0]
    u_idx = index[0]
    r_idx = index[1]
    u_mask = jnp.zeros((NUM_ENTS,), jnp.bool_).at[u_idx].set(True)
    r_mask = jnp.zeros((NUM_RELS * 2,), jnp.bool_).at[r_idx].set(True)
    g_h_last = _normalize(ent_emb)
    g_h_0_last = _normalize(rel_emb)
    for _ in range(LAYERS):
        g_h = g_h_last
        g_h_0 = g_h_0_last
        # relation update: aggregate entity messages per relation
        u_emb = g_h[u_idx]
        u2r = _scatter_mean(u_emb, r_idx, NUM_RELS * 2)
        u2r = u2r @ w_u2r_w.T + w_u2r_b
        r_emb = g_h_0 @ w_r_w.T + w_r_b
        r_res = jax.nn.relu(u2r)
        g_h_0 = jnp.where(r_mask[:, None], r_res * 0.5 + r_emb * 0.5, g_h_0)
        # entity update: aggregate (updated) relation messages per entity
        r_emb2 = g_h_0[r_idx]
        r2u = _scatter_mean(r_emb2, u_idx, NUM_ENTS)
        r2u = r2u @ w_r2u_w.T + w_r2u_b
        u_emb2 = g_h @ w_u_w.T + w_u_b
        u_res = jax.nn.relu(r2u)
        g_h = jnp.where(u_mask[:, None], 0.5 * u_res + 0.5 * u_emb2, g_h)
        g_h_last = _normalize(g_h)
        g_h_0_last = _normalize(g_h_0)
    return g_h_last

if __name__ == "__main__":
    import jax
    _d = setup_inputs()
    print(jax.jit(kernel)(*tuple(_d.values())))

</pallas_src>

<mosaic_0001>
#map = affine_map<(d0, d1) -> (0, 0, 0)>
#map1 = affine_map<(d0, d1) -> (0, 0)>
module attributes {stable_mosaic.version = 14 : i64} {
  func.func @_sc_seg_sum(%arg0: i32, %arg1: i32, %arg2: memref<16x157x128xi32, #tpu.memory_space<hbm>>, %arg3: memref<16x157x128xi32, #tpu.memory_space<hbm>>, %arg4: memref<10240x128xf32, #tpu.memory_space<hbm>>, %arg5: memref<10240x128xf32, #tpu.memory_space<hbm>>, %arg6: memref<157x128xi32, #tpu.memory_space<vmem>>, %arg7: memref<157x128xi32, #tpu.memory_space<vmem>>, %arg8: memref<128xi32, #tpu.memory_space<vmem>>, %arg9: memref<128xi32, #tpu.memory_space<vmem>>, %arg10: memref<128xi32, #tpu.memory_space<vmem>>, %arg11: memref<128xi32, #tpu.memory_space<vmem>>, %arg12: memref<80xi32, #tpu.memory_space<vmem>>, %arg13: memref<128x128xf32, #tpu.memory_space<vmem>>, %arg14: memref<128x128xf32, #tpu.memory_space<vmem>>, %arg15: memref<80x128xf32, #tpu.memory_space<vmem>>, %arg16: memref<5128x128xf32, #tpu.memory_space<vmem_shared>>, %arg17: memref<!tpu.dma_semaphore, #tpu.memory_space<semaphore_mem>>, %arg18: memref<!tpu.dma_semaphore, #tpu.memory_space<semaphore_mem>>) attributes {dimension_semantics = [#tpu.dimension_semantics<core_parallel>, #tpu.dimension_semantics<subcore_parallel>], iteration_bounds = array<i64: 2, 16>, scalar_prefetch = 0 : i64, scratch_operands = 13 : i64, tpu.core_type = #tpu.core_type<sc_vector_subcore>, window_params = [{transform_indices = #map}, {transform_indices = #map}, {transform_indices = #map1}, {transform_indices = #map1}]} {
    %broadcast_in_dim3A = arith.constant 0.000000e+00 : f32
    %broadcast_in_dim3A_0 = vector.broadcast %broadcast_in_dim3A : f32 to vector<16xf32>
    %scan3A = arith.constant 0 : i32
    %scan3A_1 = arith.constant 0 : i32
    %scan3A_2 = arith.constant 640 : i32
    %scan3A_3 = arith.addi %scan3A_1, %scan3A_2 : i32
    %scan3A_4 = arith.constant 1 : i32
    scf.for %scan3A_36 = %scan3A_1 to %scan3A_3 step %scan3A_4  : i32 {
      %jit3A = arith.constant 8 : i32
      %div3A = arith.divsi %scan3A_36, %jit3A : i32
      %sign3A = arith.constant 0 : i32
      %sign3A_37 = arith.cmpi sgt, %scan3A_36, %sign3A : i32
      %sign3A_38 = arith.extui %sign3A_37 : i1 to i32
      %sign3A_39 = arith.constant 0 : i32
      %sign3A_40 = arith.cmpi slt, %scan3A_36, %sign3A_39 : i32
      %sign3A_41 = arith.extui %sign3A_40 : i1 to i32
      %sign3A_42 = arith.subi %sign3A_38, %sign3A_41 : i32
      %sign3A_43 = arith.constant 0 : i32
      %sign3A_44 = arith.cmpi sgt, %jit3A, %sign3A_43 : i32
      %sign3A_45 = arith.extui %sign3A_44 : i1 to i32
      %sign3A_46 = arith.constant 0 : i32
      %sign3A_47 = arith.cmpi slt, %jit3A, %sign3A_46 : i32
      %sign3A_48 = arith.extui %sign3A_47 : i1 to i32
      %sign3A_49 = arith.subi %sign3A_45, %sign3A_48 : i32
      %ne3A = arith.cmpi ne, %sign3A_42, %sign3A_49 : i32
      %rem3A = arith.remsi %scan3A_36, %jit3A : i32
      %ne3A_50 = arith.constant 0 : i32
      %ne3A_51 = arith.cmpi ne, %rem3A, %ne3A_50 : i32
      %and3A = arith.andi %ne3A, %ne3A_51 : i1
      %sub3A = arith.constant 1 : i32
      %sub3A_52 = arith.subi %div3A, %sub3A : i32
      %select_n3A = arith.select %and3A, %sub3A_52, %div3A : i32
      %jit3A_53 = arith.constant 8 : i32
      %eq3A = arith.constant 0 : i32
      %eq3A_54 = arith.cmpi eq, %jit3A_53, %eq3A : i32
      %jit3A_55 = arith.constant 1 : i32
      %select_n3A_56 = arith.select %eq3A_54, %jit3A_55, %jit3A_53 : i32
      %rem3A_57 = arith.remsi %scan3A_36, %select_n3A_56 : i32
      %ne3A_58 = arith.constant 0 : i32
      %ne3A_59 = arith.cmpi ne, %rem3A_57, %ne3A_58 : i32
      %lt3A = arith.constant 0 : i32
      %lt3A_60 = arith.cmpi slt, %rem3A_57, %lt3A : i32
      %lt3A_61 = arith.constant 0 : i32
      %lt3A_62 = arith.cmpi slt, %select_n3A_56, %lt3A_61 : i32
      %ne3A_63 = arith.xori %lt3A_60, %lt3A_62 : i1
      %and3A_64 = arith.andi %ne3A_63, %ne3A_59 : i1
      %add3A = arith.addi %rem3A_57, %select_n3A_56 : i32
      %select_n3A_65 = arith.select %and3A_64, %add3A, %rem3A_57 : i32
      %mul3A_66 = arith.constant 16 : i32
      %mul3A_67 = arith.muli %select_n3A_65, %mul3A_66 : i32
      %swap3A = arith.index_cast %select_n3A : i32 to index
      %swap3A_68 = arith.index_cast %mul3A_67 : i32 to index
      %swap3A_69 = tpu.vector_load %arg15[%swap3A, %swap3A_68] {strides = array<i32>} : memref<80x128xf32, #tpu.memory_space<vmem>>, vector<1x16xf32>,
      %swap3A_70 = vector.shape_cast %swap3A_69 : vector<1x16xf32> to vector<16xf32>
      %swap3A_71 = vector.shape_cast %broadcast_in_dim3A_0 : vector<16xf32> to vector<1x16xf32>
      tpu.vector_store %arg15[%swap3A, %swap3A_68], %swap3A_71 {strides = array<i32>} : memref<80x128xf32, #tpu.memory_space<vmem>>, vector<1x16xf32>,
    }
    %scan3A_5 = arith.constant 640 : i32
    "tpu.region"() ({
      %run_scoped3A = tpu.sem_alloc : memref<!tpu.dma_semaphore, #tpu.memory_space<semaphore_mem>>
      %dma_start3A_36 = arith.constant 0 : i32
      %dma_start3A_37 = arith.constant 0 : i32
      %dma_start3A_38 = tpu.memref_slice %arg2[%arg1, %dma_start3A_36, %dma_start3A_37] : memref<16x157x128xi32, #tpu.memory_space<hbm>> -> memref<1x157x128xi32, #tpu.memory_space<hbm>>
      %dma_start3A_39 = tpu.memref_squeeze %dma_start3A_38 : memref<1x157x128xi32, #tpu.memory_space<hbm>> -> memref<157x128xi32, #tpu.memory_space<hbm>>
      %dma_start3A_40 = arith.constant 0 : i32
      %dma_start3A_41 = arith.constant 0 : i32
      %dma_start3A_42 = tpu.memref_slice %arg2[%arg1, %dma_start3A_40, %dma_start3A_41] : memref<16x157x128xi32, #tpu.memory_space<hbm>> -> memref<1x157x128xi32, #tpu.memory_space<hbm>>
      %dma_start3A_43 = tpu.memref_squeeze %dma_start3A_42 : memref<1x157x128xi32, #tpu.memory_space<hbm>> -> memref<157x128xi32, #tpu.memory_space<hbm>>
      tpu.enqueue_dma source(%dma_start3A_43 : memref<157x128xi32, #tpu.memory_space<hbm>>) target(%arg6 : memref<157x128xi32, #tpu.memory_space<vmem>>) target_semaphore(%run_scoped3A : memref<!tpu.dma_semaphore, #tpu.memory_space<semaphore_mem>>)
      %dma_wait3A_44 = arith.constant 0 : i32
      %dma_wait3A_45 = arith.constant 0 : i32
      %dma_wait3A_46 = tpu.memref_slice %arg2[%arg1, %dma_wait3A_44, %dma_wait3A_45] : memref<16x157x128xi32, #tpu.memory_space<hbm>> -> memref<1x157x128xi32, #tpu.memory_space<hbm>>
      %dma_wait3A_47 = tpu.memref_squeeze %dma_wait3A_46 : memref<1x157x128xi32, #tpu.memory_space<hbm>> -> memref<157x128xi32, #tpu.memory_space<hbm>>
      %dma_wait3A_48 = arith.constant 0 : i32
      %dma_wait3A_49 = arith.constant 0 : i32
      %dma_wait3A_50 = tpu.memref_slice %arg2[%arg1, %dma_wait3A_48, %dma_wait3A_49] : memref<16x157x128xi32, #tpu.memory_space<hbm>> -> memref<1x157x128xi32, #tpu.memory_space<hbm>>
      %dma_wait3A_51 = tpu.memref_squeeze %dma_wait3A_50 : memref<1x157x128xi32, #tpu.memory_space<hbm>> -> memref<157x128xi32, #tpu.memory_space<hbm>>
      tpu.wait_dma2 semaphore(%run_scoped3A : memref<!tpu.dma_semaphore, #tpu.memory_space<semaphore_mem>>) src(%dma_wait3A_51 : memref<157x128xi32, #tpu.memory_space<hbm>>) dst(%arg6 : memref<157x128xi32, #tpu.memory_space<vmem>>)
      tpu.yield
    }) : () -> ()
    "tpu.region"() ({
      %run_scoped3A = tpu.sem_alloc : memref<!tpu.dma_semaphore, #tpu.memory_space<semaphore_mem>>
      %dma_start3A_36 = arith.constant 0 : i32
      %dma_start3A_37 = arith.constant 0 : i32
      %dma_start3A_38 = tpu.memref_slice %arg3[%arg1, %dma_start3A_36, %dma_start3A_37] : memref<16x157x128xi32, #tpu.memory_space<hbm>> -> memref<1x157x128xi32, #tpu.memory_space<hbm>>
      %dma_start3A_39 = tpu.memref_squeeze %dma_start3A_38 : memref<1x157x128xi32, #tpu.memory_space<hbm>> -> memref<157x128xi32, #tpu.memory_space<hbm>>
      %dma_start3A_40 = arith.constant 0 : i32
      %dma_start3A_41 = arith.constant 0 : i32
      %dma_start3A_42 = tpu.memref_slice %arg3[%arg1, %dma_start3A_40, %dma_start3A_41] : memref<16x157x128xi32, #tpu.memory_space<hbm>> -> memref<1x157x128xi32, #tpu.memory_space<hbm>>
      %dma_start3A_43 = tpu.memref_squeeze %dma_start3A_42 : memref<1x157x128xi32, #tpu.memory_space<hbm>> -> memref<157x128xi32, #tpu.memory_space<hbm>>
      tpu.enqueue_dma source(%dma_start3A_43 : memref<157x128xi32, #tpu.memory_space<hbm>>) target(%arg7 : memref<157x128xi32, #tpu.memory_space<vmem>>) target_semaphore(%run_scoped3A : memref<!tpu.dma_semaphore, #tpu.memory_space<semaphore_mem>>)
      %dma_wait3A_44 = arith.constant 0 : i32
      %dma_wait3A_45 = arith.constant 0 : i32
      %dma_wait3A_46 = tpu.memref_slice %arg3[%arg1, %dma_wait3A_44, %dma_wait3A_45] : memref<16x157x128xi32, #tpu.memory_space<hbm>> -> memref<1x157x128xi32, #tpu.memory_space<hbm>>
      %dma_wait3A_47 = tpu.memref_squeeze %dma_wait3A_46 : memref<1x157x128xi32, #tpu.memory_space<hbm>> -> memref<157x128xi32, #tpu.memory_space<hbm>>
      %dma_wait3A_48 = arith.constant 0 : i32
      %dma_wait3A_49 = arith.constant 0 : i32
      %dma_wait3A_50 = tpu.memref_slice %arg3[%arg1, %dma_wait3A_48, %dma_wait3A_49] : memref<16x157x128xi32, #tpu.memory_space<hbm>> -> memref<1x157x128xi32, #tpu.memory_space<hbm>>
      %dma_wait3A_51 = tpu.memref_squeeze %dma_wait3A_50 : memref<1x157x128xi32, #tpu.memory_space<hbm>> -> memref<157x128xi32, #tpu.memory_space<hbm>>
      tpu.wait_dma2 semaphore(%run_scoped3A : memref<!tpu.dma_semaphore, #tpu.memory_space<semaphore_mem>>) src(%dma_wait3A_51 : memref<157x128xi32, #tpu.memory_space<hbm>>) dst(%arg7 : memref<157x128xi32, #tpu.memory_space<vmem>>)
      tpu.yield
    }) : () -> ()
    %iota3A = tpu.iota {dimensions = array<i32: 0>} : vector<16xi32>
    %scan3A_6 = arith.constant 0 : i32
    %scan3A_7 = arith.constant 0 : i32
    %scan3A_8 = arith.constant 4 : i32
    %scan3A_9 = arith.addi %scan3A_7, %scan3A_8 : i32
    %scan3A_10 = arith.constant 1 : i32
    scf.for %scan3A_36 = %scan3A_7 to %scan3A_9 step %scan3A_10  : i32 {
      %mul3A_37 = arith.constant 320 : i32
      %mul3A_38 = arith.muli %arg1, %mul3A_37 : i32
      %mul3A_39 = arith.constant 80 : i32
      %mul3A_40 = arith.muli %scan3A_36, %mul3A_39 : i32
      %add3A = arith.addi %mul3A_38, %mul3A_40 : i32
      %scan3A_41 = arith.constant 0 : i32
      %scan3A_42 = arith.constant 0 : i32
      %scan3A_43 = arith.constant 5 : i32
      %scan3A_44 = arith.addi %scan3A_42, %scan3A_43 : i32
      %scan3A_45 = arith.constant 1 : i32
      scf.for %scan3A_47 = %scan3A_42 to %scan3A_44 step %scan3A_45  : i32 {
        %mul3A_48 = arith.constant 16 : i32
        %mul3A_49 = arith.muli %scan3A_47, %mul3A_48 : i32
        %add3A_50 = arith.addi %add3A, %mul3A_49 : i32
        %add3A_51 = vector.broadcast %add3A_50 : i32 to vector<16xi32>
        %add3A_52 = arith.addi %add3A_51, %iota3A : vector<16xi32>
        %mul3A_53 = arith.constant 16 : i32
        %mul3A_54 = arith.muli %scan3A_47, %mul3A_53 : i32
        %swap3A = arith.index_cast %mul3A_54 : i32 to index
        %swap3A_55 = tpu.vector_load %arg12[%swap3A] {strides = array<i32>} : memref<80xi32, #tpu.memory_space<vmem>>, vector<16xi32>,
        %swap3A_56 = vector.shape_cast %swap3A_55 : vector<16xi32> to vector<16xi32>
        %swap3A_57 = vector.shape_cast %add3A_52 : vector<16xi32> to vector<16xi32>
        tpu.vector_store %arg12[%swap3A], %swap3A_57 {strides = array<i32>} : memref<80xi32, #tpu.memory_space<vmem>>, vector<16xi32>,
      }
      %scan3A_46 = arith.constant 5 : i32
      "tpu.region"() ({
        %run_scoped3A = tpu.sem_alloc : memref<!tpu.dma_semaphore, #tpu.memory_space<semaphore_mem>>
        %dma_start3A_47 = arith.constant 0 : i32
        %dma_start3A_48 = arith.constant 0 : i32
        %dma_start3A_49 = tpu.memref_slice %arg16[%dma_start3A_47, %dma_start3A_48] : memref<5128x128xf32, #tpu.memory_space<vmem_shared>> -> memref<5128x128xf32, #tpu.memory_space<vmem_shared>>
        tpu.enqueue_indirect_dma source(%arg15 : memref<80x128xf32, #tpu.memory_space<vmem>>) target(%dma_start3A_49 : memref<5128x128xf32, #tpu.memory_space<vmem_shared>>) offsets(%arg12 : memref<80xi32, #tpu.memory_space<vmem>>) semaphore(%run_scoped3A : memref<!tpu.dma_semaphore, #tpu.memory_space<semaphore_mem>>)
        %dma_wait3A_50 = arith.constant 0 : i32
        %dma_wait3A_51 = arith.constant 0 : i32
        %dma_wait3A_52 = tpu.memref_slice %arg16[%dma_wait3A_50, %dma_wait3A_51] : memref<5128x128xf32, #tpu.memory_space<vmem_shared>> -> memref<5128x128xf32, #tpu.memory_space<vmem_shared>>
        tpu.wait_indirect_dma semaphore(%run_scoped3A : memref<!tpu.dma_semaphore, #tpu.memory_space<semaphore_mem>>) src(%arg15 : memref<80x128xf32, #tpu.memory_space<vmem>>) dst(%dma_wait3A_52 : memref<5128x128xf32, #tpu.memory_space<vmem_shared>>)
        tpu.yield
      }) : () -> ()
    }
    %scan3A_11 = arith.constant 4 : i32
    %barrier3A = arith.constant 0 : index
    tpu.barrier barrier_id(%barrier3A)
    %mul3A = arith.constant 5120 : i32
    %mul3A_12 = arith.muli %arg0, %mul3A : i32
    %scan3A_13 = arith.constant 0 : i32
    %scan3A_14 = arith.constant 0 : i32
    %scan3A_15 = arith.constant 8 : i32
    %scan3A_16 = arith.addi %scan3A_14, %scan3A_15 : i32
    %scan3A_17 = arith.constant 1 : i32
    scf.for %scan3A_36 = %scan3A_14 to %scan3A_16 step %scan3A_17  : i32 {
      %mul3A_37 = arith.constant 16 : i32
      %mul3A_38 = arith.muli %scan3A_36, %mul3A_37 : i32
      %get3A = arith.constant 0 : i32
      %get3A_39 = arith.index_cast %get3A : i32 to index
      %get3A_40 = arith.index_cast %mul3A_38 : i32 to index
      %get3A_41 = tpu.vector_load %arg6[%get3A_39, %get3A_40] {strides = array<i32>} : memref<157x128xi32, #tpu.memory_space<vmem>>, vector<1x16xi32>,
      %get3A_42 = vector.shape_cast %get3A_41 : vector<1x16xi32> to vector<16xi32>
      %swap3A = arith.index_cast %mul3A_38 : i32 to index
      %swap3A_43 = tpu.vector_load %arg8[%swap3A] {strides = array<i32>} : memref<128xi32, #tpu.memory_space<vmem>>, vector<16xi32>,
      %swap3A_44 = vector.shape_cast %swap3A_43 : vector<16xi32> to vector<16xi32>
      %swap3A_45 = vector.shape_cast %get3A_42 : vector<16xi32> to vector<16xi32>
      tpu.vector_store %arg8[%swap3A], %swap3A_45 {strides = array<i32>} : memref<128xi32, #tpu.memory_space<vmem>>, vector<16xi32>,
      %get3A_46 = arith.constant 0 : i32
      %get3A_47 = arith.index_cast %get3A_46 : i32 to index
      %get3A_48 = arith.index_cast %mul3A_38 : i32 to index
      %get3A_49 = tpu.vector_load %arg7[%get3A_47, %get3A_48] {strides = array<i32>} : memref<157x128xi32, #tpu.memory_space<vmem>>, vector<1x16xi32>,
      %get3A_50 = vector.shape_cast %get3A_49 : vector<1x16xi32> to vector<16xi32>
      %sub3A = vector.broadcast %mul3A_12 : i32 to vector<16xi32>
      %sub3A_51 = arith.subi %get3A_50, %sub3A : vector<16xi32>
      %ge3A = arith.constant 0 : i32
      %ge3A_52 = vector.broadcast %ge3A : i32 to vector<16xi32>
      %ge3A_53 = arith.cmpi sge, %sub3A_51, %ge3A_52 : vector<16xi32>
      %lt3A = arith.constant 5120 : i32
      %lt3A_54 = vector.broadcast %lt3A : i32 to vector<16xi32>
      %lt3A_55 = arith.cmpi slt, %sub3A_51, %lt3A_54 : vector<16xi32>
      %and3A = arith.andi %ge3A_53, %lt3A_55 : vector<16xi1>
      %jit3A = arith.constant 5120 : i32
      %broadcast_in_dim3A_56 = vector.broadcast %jit3A : i32 to vector<16xi32>
      %select_n3A = arith.select %and3A, %sub3A_51, %broadcast_in_dim3A_56 : vector<16xi1>, vector<16xi32>
      %swap3A_57 = arith.index_cast %mul3A_38 : i32 to index
      %swap3A_58 = tpu.vector_load %arg9[%swap3A_57] {strides = array<i32>} : memref<128xi32, #tpu.memory_space<vmem>>, vector<16xi32>,
      %swap3A_59 = vector.shape_cast %swap3A_58 : vector<16xi32> to vector<16xi32>
      %swap3A_60 = vector.shape_cast %select_n3A : vector<16xi32> to vector<16xi32>
      tpu.vector_store %arg9[%swap3A_57], %swap3A_60 {strides = array<i32>} : memref<128xi32, #tpu.memory_space<vmem>>, vector<16xi32>,
    }
    %scan3A_18 = arith.constant 8 : i32
    %dma_start3A = arith.constant 0 : i32
    %dma_start3A_19 = arith.constant 0 : i32
    %dma_start3A_20 = tpu.memref_slice %arg4[%dma_start3A, %dma_start3A_19] : memref<10240x128xf32, #tpu.memory_space<hbm>> -> memref<10240x128xf32, #tpu.memory_space<hbm>>
    tpu.enqueue_indirect_dma source(%dma_start3A_20 : memref<10240x128xf32, #tpu.memory_space<hbm>>) target(%arg13 : memref<128x128xf32, #tpu.memory_space<vmem>>) offsets(%arg8 : memref<128xi32, #tpu.memory_space<vmem>>) semaphore(%arg17 : memref<!tpu.dma_semaphore, #tpu.memory_space<semaphore_mem>>)
    %scan3A_21 = arith.constant 0 : i32
    %scan3A_22 = arith.constant 0 : i32
    %scan3A_23 = arith.constant 78 : i32
    %scan3A_24 = arith.addi %scan3A_22, %scan3A_23 : i32
    %scan3A_25 = arith.constant 1 : i32
    scf.for %scan3A_36 = %scan3A_22 to %scan3A_24 step %scan3A_25  : i32 {
      %mul3A_37 = arith.constant 2 : i32
      %mul3A_38 = arith.muli %mul3A_37, %scan3A_36 : i32
      %add3A = arith.constant 1 : i32
      %add3A_39 = arith.addi %add3A, %mul3A_38 : i32
      %scan3A_40 = arith.constant 0 : i32
      %scan3A_41 = arith.constant 0 : i32
      %scan3A_42 = arith.constant 8 : i32
      %scan3A_43 = arith.addi %scan3A_41, %scan3A_42 : i32
      %scan3A_44 = arith.constant 1 : i32
      scf.for %scan3A_66 = %scan3A_41 to %scan3A_43 step %scan3A_44  : i32 {
        %mul3A_67 = arith.constant 16 : i32
        %mul3A_68 = arith.muli %scan3A_66, %mul3A_67 : i32
        %get3A = arith.index_cast %add3A_39 : i32 to index
        %get3A_69 = arith.index_cast %mul3A_68 : i32 to index
        %get3A_70 = tpu.vector_load %arg6[%get3A, %get3A_69] {strides = array<i32>} : memref<157x128xi32, #tpu.memory_space<vmem>>, vector<1x16xi32>,
        %get3A_71 = vector.shape_cast %get3A_70 : vector<1x16xi32> to vector<16xi32>
        %swap3A = arith.index_cast %mul3A_68 : i32 to index
        %swap3A_72 = tpu.vector_load %arg10[%swap3A] {strides = array<i32>} : memref<128xi32, #tpu.memory_space<vmem>>, vector<16xi32>,
        %swap3A_73 = vector.shape_cast %swap3A_72 : vector<16xi32> to vector<16xi32>
        %swap3A_74 = vector.shape_cast %get3A_71 : vector<16xi32> to vector<16xi32>
        tpu.vector_store %arg10[%swap3A], %swap3A_74 {strides = array<i32>} : memref<128xi32, #tpu.memory_space<vmem>>, vector<16xi32>,
        %get3A_75 = arith.index_cast %add3A_39 : i32 to index
        %get3A_76 = arith.index_cast %mul3A_68 : i32 to index
        %get3A_77 = tpu.vector_load %arg7[%get3A_75, %get3A_76] {strides = array<i32>} : memref<157x128xi32, #tpu.memory_space<vmem>>, vector<1x16xi32>,
        %get3A_78 = vector.shape_cast %get3A_77 : vector<1x16xi32> to vector<16xi32>
        %sub3A = vector.broadcast %mul3A_12 : i32 to vector<16xi32>
        %sub3A_79 = arith.subi %get3A_78, %sub3A : vector<16xi32>
        %ge3A = arith.constant 0 : i32
        %ge3A_80 = vector.broadcast %ge3A : i32 to vector<16xi32>
        %ge3A_81 = arith.cmpi sge, %sub3A_79, %ge3A_80 : vector<16xi32>
        %lt3A = arith.constant 5120 : i32
        %lt3A_82 = vector.broadcast %lt3A : i32 to vector<16xi32>
        %lt3A_83 = arith.cmpi slt, %sub3A_79, %lt3A_82 : vector<16xi32>
        %and3A = arith.andi %ge3A_81, %lt3A_83 : vector<16xi1>
        %jit3A = arith.constant 5120 : i32
        %broadcast_in_dim3A_84 = vector.broadcast %jit3A : i32 to vector<16xi32>
        %select_n3A = arith.select %and3A, %sub3A_79, %broadcast_in_dim3A_84 : vector<16xi1>, vector<16xi32>
        %swap3A_85 = arith.index_cast %mul3A_68 : i32 to index
        %swap3A_86 = tpu.vector_load %arg11[%swap3A_85] {strides = array<i32>} : memref<128xi32, #tpu.memory_space<vmem>>, vector<16xi32>,
        %swap3A_87 = vector.shape_cast %swap3A_86 : vector<16xi32> to vector<16xi32>
        %swap3A_88 = vector.shape_cast %select_n3A : vector<16xi32> to vector<16xi32>
        tpu.vector_store %arg11[%swap3A_85], %swap3A_88 {strides = array<i32>} : memref<128xi32, #tpu.memory_space<vmem>>, vector<16xi32>,
      }
      %scan3A_45 = arith.constant 8 : i32
      %dma_start3A_46 = arith.constant 0 : i32
      %dma_start3A_47 = arith.constant 0 : i32
      %dma_start3A_48 = tpu.memref_slice %arg4[%dma_start3A_46, %dma_start3A_47] : memref<10240x128xf32, #tpu.memory_space<hbm>> -> memref<10240x128xf32, #tpu.memory_space<hbm>>
      tpu.enqueue_indirect_dma source(%dma_start3A_48 : memref<10240x128xf32, #tpu.memory_space<hbm>>) target(%arg14 : memref<128x128xf32, #tpu.memory_space<vmem>>) offsets(%arg10 : memref<128xi32, #tpu.memory_space<vmem>>) semaphore(%arg18 : memref<!tpu.dma_semaphore, #tpu.memory_space<semaphore_mem>>)
      %dma_wait3A_49 = arith.constant 0 : i32
      %dma_wait3A_50 = arith.constant 0 : i32
      %dma_wait3A_51 = tpu.memref_slice %arg4[%dma_wait3A_49, %dma_wait3A_50] : memref<10240x128xf32, #tpu.memory_space<hbm>> -> memref<10240x128xf32, #tpu.memory_space<hbm>>
      tpu.wait_indirect_dma semaphore(%arg17 : memref<!tpu.dma_semaphore, #tpu.memory_space<semaphore_mem>>) src(%dma_wait3A_51 : memref<10240x128xf32, #tpu.memory_space<hbm>>) dst(%arg13 : memref<128x128xf32, #tpu.memory_space<vmem>>)
      "tpu.region"() ({
        %run_scoped3A = tpu.sem_alloc : memref<!tpu.dma_semaphore, #tpu.memory_space<semaphore_mem>>
        %dma_start3A_66 = arith.constant 0 : i32
        %dma_start3A_67 = arith.constant 0 : i32
        %dma_start3A_68 = tpu.memref_slice %arg16[%dma_start3A_66, %dma_start3A_67] : memref<5128x128xf32, #tpu.memory_space<vmem_shared>> -> memref<5128x128xf32, #tpu.memory_space<vmem_shared>>
        tpu.enqueue_indirect_dma source(%arg13 : memref<128x128xf32, #tpu.memory_space<vmem>>) target(%dma_start3A_68 : memref<5128x128xf32, #tpu.memory_space<vmem_shared>>) offsets(%arg9 : memref<128xi32, #tpu.memory_space<vmem>>) semaphore(%run_scoped3A : memref<!tpu.dma_semaphore, #tpu.memory_space<semaphore_mem>>) {add = true}
        %dma_wait3A_69 = arith.constant 0 : i32
        %dma_wait3A_70 = arith.constant 0 : i32
        %dma_wait3A_71 = tpu.memref_slice %arg16[%dma_wait3A_69, %dma_wait3A_70] : memref<5128x128xf32, #tpu.memory_space<vmem_shared>> -> memref<5128x128xf32, #tpu.memory_space<vmem_shared>>
        tpu.wait_indirect_dma semaphore(%run_scoped3A : memref<!tpu.dma_semaphore, #tpu.memory_space<semaphore_mem>>) src(%arg13 : memref<128x128xf32, #tpu.memory_space<vmem>>) dst(%dma_wait3A_71 : memref<5128x128xf32, #tpu.memory_space<vmem_shared>>)
        tpu.yield
      }) : () -> ()
      %add3A_52 = arith.constant 1 : i32
      %add3A_53 = arith.addi %add3A_39, %add3A_52 : i32
      %scan3A_54 = arith.constant 0 : i32
      %scan3A_55 = arith.constant 0 : i32
      %scan3A_56 = arith.constant 8 : i32
      %scan3A_57 = arith.addi %scan3A_55, %scan3A_56 : i32
      %scan3A_58 = arith.constant 1 : i32
      scf.for %scan3A_66 = %scan3A_55 to %scan3A_57 step %scan3A_58  : i32 {
        %mul3A_67 = arith.constant 16 : i32
        %mul3A_68 = arith.muli %scan3A_66, %mul3A_67 : i32
        %get3A = arith.index_cast %add3A_53 : i32 to index
        %get3A_69 = arith.index_cast %mul3A_68 : i32 to index
        %get3A_70 = tpu.vector_load %arg6[%get3A, %get3A_69] {strides = array<i32>} : memref<157x128xi32, #tpu.memory_space<vmem>>, vector<1x16xi32>,
        %get3A_71 = vector.shape_cast %get3A_70 : vector<1x16xi32> to vector<16xi32>
        %swap3A = arith.index_cast %mul3A_68 : i32 to index
        %swap3A_72 = tpu.vector_load %arg8[%swap3A] {strides = array<i32>} : memref<128xi32, #tpu.memory_space<vmem>>, vector<16xi32>,
        %swap3A_73 = vector.shape_cast %swap3A_72 : vector<16xi32> to vector<16xi32>
        %swap3A_74 = vector.shape_cast %get3A_71 : vector<16xi32> to vector<16xi32>
        tpu.vector_store %arg8[%swap3A], %swap3A_74 {strides = array<i32>} : memref<128xi32, #tpu.memory_space<vmem>>, vector<16xi32>,
        %get3A_75 = arith.index_cast %add3A_53 : i32 to index
        %get3A_76 = arith.index_cast %mul3A_68 : i32 to index
        %get3A_77 = tpu.vector_load %arg7[%get3A_75, %get3A_76] {strides = array<i32>} : memref<157x128xi32, #tpu.memory_space<vmem>>, vector<1x16xi32>,
        %get3A_78 = vector.shape_cast %get3A_77 : vector<1x16xi32> to vector<16xi32>
        %sub3A = vector.broadcast %mul3A_12 : i32 to vector<16xi32>
        %sub3A_79 = arith.subi %get3A_78, %sub3A : vector<16xi32>
        %ge3A = arith.constant 0 : i32
        %ge3A_80 = vector.broadcast %ge3A : i32 to vector<16xi32>
        %ge3A_81 = arith.cmpi sge, %sub3A_79, %ge3A_80 : vector<16xi32>
        %lt3A = arith.constant 5120 : i32
        %lt3A_82 = vector.broadcast %lt3A : i32 to vector<16xi32>
        %lt3A_83 = arith.cmpi slt, %sub3A_79, %lt3A_82 : vector<16xi32>
        %and3A = arith.andi %ge3A_81, %lt3A_83 : vector<16xi1>
        %jit3A = arith.constant 5120 : i32
        %broadcast_in_dim3A_84 = vector.broadcast %jit3A : i32 to vector<16xi32>
        %select_n3A = arith.select %and3A, %sub3A_79, %broadcast_in_dim3A_84 : vector<16xi1>, vector<16xi32>
        %swap3A_85 = arith.index_cast %mul3A_68 : i32 to index
        %swap3A_86 = tpu.vector_load %arg9[%swap3A_85] {strides = array<i32>} : memref<128xi32, #tpu.memory_space<vmem>>, vector<16xi32>,
        %swap3A_87 = vector.shape_cast %swap3A_86 : vector<16xi32> to vector<16xi32>
        %swap3A_88 = vector.shape_cast %select_n3A : vector<16xi32> to vector<16xi32>
        tpu.vector_store %arg9[%swap3A_85], %swap3A_88 {strides = array<i32>} : memref<128xi32, #tpu.memory_space<vmem>>, vector<16xi32>,
      }
      %scan3A_59 = arith.constant 8 : i32
      %dma_start3A_60 = arith.constant 0 : i32
      %dma_start3A_61 = arith.constant 0 : i32
      %dma_start3A_62 = tpu.memref_slice %arg4[%dma_start3A_60, %dma_start3A_61] : memref<10240x128xf32, #tpu.memory_space<hbm>> -> memref<10240x128xf32, #tpu.memory_space<hbm>>
      tpu.enqueue_indirect_dma source(%dma_start3A_62 : memref<10240x128xf32, #tpu.memory_space<hbm>>) target(%arg13 : memref<128x128xf32, #tpu.memory_space<vmem>>) offsets(%arg8 : memref<128xi32, #tpu.memory_space<vmem>>) semaphore(%arg17 : memref<!tpu.dma_semaphore, #tpu.memory_space<semaphore_mem>>)
      %dma_wait3A_63 = arith.constant 0 : i32
      %dma_wait3A_64 = arith.constant 0 : i32
      %dma_wait3A_65 = tpu.memref_slice %arg4[%dma_wait3A_63, %dma_wait3A_64] : memref<10240x128xf32, #tpu.memory_space<hbm>> -> memref<10240x128xf32, #tpu.memory_space<hbm>>
      tpu.wait_indirect_dma semaphore(%arg18 : memref<!tpu.dma_semaphore, #tpu.memory_space<semaphore_mem>>) src(%dma_wait3A_65 : memref<10240x128xf32, #tpu.memory_space<hbm>>) dst(%arg14 : memref<128x128xf32, #tpu.memory_space<vmem>>)
      "tpu.region"() ({
        %run_scoped3A = tpu.sem_alloc : memref<!tpu.dma_semaphore, #tpu.memory_space<semaphore_mem>>
        %dma_start3A_66 = arith.constant 0 : i32
        %dma_start3A_67 = arith.constant 0 : i32
        %dma_start3A_68 = tpu.memref_slice %arg16[%dma_start3A_66, %dma_start3A_67] : memref<5128x128xf32, #tpu.memory_space<vmem_shared>> -> memref<5128x128xf32, #tpu.memory_space<vmem_shared>>
        tpu.enqueue_indirect_dma source(%arg14 : memref<128x128xf32, #tpu.memory_space<vmem>>) target(%dma_start3A_68 : memref<5128x128xf32, #tpu.memory_space<vmem_shared>>) offsets(%arg11 : memref<128xi32, #tpu.memory_space<vmem>>) semaphore(%run_scoped3A : memref<!tpu.dma_semaphore, #tpu.memory_space<semaphore_mem>>) {add = true}
        %dma_wait3A_69 = arith.constant 0 : i32
        %dma_wait3A_70 = arith.constant 0 : i32
        %dma_wait3A_71 = tpu.memref_slice %arg16[%dma_wait3A_69, %dma_wait3A_70] : memref<5128x128xf32, #tpu.memory_space<vmem_shared>> -> memref<5128x128xf32, #tpu.memory_space<vmem_shared>>
        tpu.wait_indirect_dma semaphore(%run_scoped3A : memref<!tpu.dma_semaphore, #tpu.memory_space<semaphore_mem>>) src(%arg14 : memref<128x128xf32, #tpu.memory_space<vmem>>) dst(%dma_wait3A_71 : memref<5128x128xf32, #tpu.memory_space<vmem_shared>>)
        tpu.yield
      }) : () -> ()
    }
    %scan3A_26 = arith.constant 78 : i32
    %dma_wait3A = arith.constant 0 : i32
    %dma_wait3A_27 = arith.constant 0 : i32
    %dma_wait3A_28 = tpu.memref_slice %arg4[%dma_wait3A, %dma_wait3A_27] : memref<10240x128xf32, #tpu.memory_space<hbm>> -> memref<10240x128xf32, #tpu.memory_space<hbm>>
    tpu.wait_indirect_dma semaphore(%arg17 : memref<!tpu.dma_semaphore, #tpu.memory_space<semaphore_mem>>) src(%dma_wait3A_28 : memref<10240x128xf32, #tpu.memory_space<hbm>>) dst(%arg13 : memref<128x128xf32, #tpu.memory_space<vmem>>)
    "tpu.region"() ({
      %run_scoped3A = tpu.sem_alloc : memref<!tpu.dma_semaphore, #tpu.memory_space<semaphore_mem>>
      %dma_start3A_36 = arith.constant 0 : i32
      %dma_start3A_37 = arith.constant 0 : i32
      %dma_start3A_38 = tpu.memref_slice %arg16[%dma_start3A_36, %dma_start3A_37] : memref<5128x128xf32, #tpu.memory_space<vmem_shared>> -> memref<5128x128xf32, #tpu.memory_space<vmem_shared>>
      tpu.enqueue_indirect_dma source(%arg13 : memref<128x128xf32, #tpu.memory_space<vmem>>) target(%dma_start3A_38 : memref<5128x128xf32, #tpu.memory_space<vmem_shared>>) offsets(%arg9 : memref<128xi32, #tpu.memory_space<vmem>>) semaphore(%run_scoped3A : memref<!tpu.dma_semaphore, #tpu.memory_space<semaphore_mem>>) {add = true}
      %dma_wait3A_39 = arith.constant 0 : i32
      %dma_wait3A_40 = arith.constant 0 : i32
      %dma_wait3A_41 = tpu.memref_slice %arg16[%dma_wait3A_39, %dma_wait3A_40] : memref<5128x128xf32, #tpu.memory_space<vmem_shared>> -> memref<5128x128xf32, #tpu.memory_space<vmem_shared>>
      tpu.wait_indirect_dma semaphore(%run_scoped3A : memref<!tpu.dma_semaphore, #tpu.memory_space<semaphore_mem>>) src(%arg13 : memref<128x128xf32, #tpu.memory_space<vmem>>) dst(%dma_wait3A_41 : memref<5128x128xf32, #tpu.memory_space<vmem_shared>>)
      tpu.yield
    }) : () -> ()
    %barrier3A_29 = arith.constant 0 : index
    tpu.barrier barrier_id(%barrier3A_29)
    %scan3A_30 = arith.constant 0 : i32
    %scan3A_31 = arith.constant 0 : i32
    %scan3A_32 = arith.constant 4 : i32
    %scan3A_33 = arith.addi %scan3A_31, %scan3A_32 : i32
    %scan3A_34 = arith.constant 1 : i32
    scf.for %scan3A_36 = %scan3A_31 to %scan3A_33 step %scan3A_34  : i32 {
      %mul3A_37 = arith.constant 320 : i32
      %mul3A_38 = arith.muli %arg1, %mul3A_37 : i32
      %mul3A_39 = arith.constant 80 : i32
      %mul3A_40 = arith.muli %scan3A_36, %mul3A_39 : i32
      %add3A = arith.addi %mul3A_38, %mul3A_40 : i32
      %scan3A_41 = arith.constant 0 : i32
      %scan3A_42 = arith.constant 0 : i32
      %scan3A_43 = arith.constant 5 : i32
      %scan3A_44 = arith.addi %scan3A_42, %scan3A_43 : i32
      %scan3A_45 = arith.constant 1 : i32
      scf.for %scan3A_61 = %scan3A_42 to %scan3A_44 step %scan3A_45  : i32 {
        %mul3A_62 = arith.constant 16 : i32
        %mul3A_63 = arith.muli %scan3A_61, %mul3A_62 : i32
        %add3A_64 = arith.addi %add3A, %mul3A_63 : i32
        %add3A_65 = vector.broadcast %add3A_64 : i32 to vector<16xi32>
        %add3A_66 = arith.addi %add3A_65, %iota3A : vector<16xi32>
        %mul3A_67 = arith.constant 16 : i32
        %mul3A_68 = arith.muli %scan3A_61, %mul3A_67 : i32
        %swap3A = arith.index_cast %mul3A_68 : i32 to index
        %swap3A_69 = tpu.vector_load %arg12[%swap3A] {strides = array<i32>} : memref<80xi32, #tpu.memory_space<vmem>>, vector<16xi32>,
        %swap3A_70 = vector.shape_cast %swap3A_69 : vector<16xi32> to vector<16xi32>
        %swap3A_71 = vector.shape_cast %add3A_66 : vector<16xi32> to vector<16xi32>
        tpu.vector_store %arg12[%swap3A], %swap3A_71 {strides = array<i32>} : memref<80xi32, #tpu.memory_space<vmem>>, vector<16xi32>,
      }
      %scan3A_46 = arith.constant 5 : i32
      %dma_start3A_47 = arith.constant 0 : i32
      %dma_start3A_48 = arith.constant 0 : i32
      %dma_start3A_49 = tpu.memref_slice %arg16[%dma_start3A_47, %dma_start3A_48] : memref<5128x128xf32, #tpu.memory_space<vmem_shared>> -> memref<5128x128xf32, #tpu.memory_space<vmem_shared>>
      tpu.enqueue_indirect_dma source(%dma_start3A_49 : memref<5128x128xf32, #tpu.memory_space<vmem_shared>>) target(%arg15 : memref<80x128xf32, #tpu.memory_space<vmem>>) offsets(%arg12 : memref<80xi32, #tpu.memory_space<vmem>>) semaphore(%arg17 : memref<!tpu.dma_semaphore, #tpu.memory_space<semaphore_mem>>)
      %dma_wait3A_50 = arith.constant 0 : i32
      %dma_wait3A_51 = arith.constant 0 : i32
      %dma_wait3A_52 = tpu.memref_slice %arg16[%dma_wait3A_50, %dma_wait3A_51] : memref<5128x128xf32, #tpu.memory_space<vmem_shared>> -> memref<5128x128xf32, #tpu.memory_space<vmem_shared>>
      tpu.wait_indirect_dma semaphore(%arg17 : memref<!tpu.dma_semaphore, #tpu.memory_space<semaphore_mem>>) src(%dma_wait3A_52 : memref<5128x128xf32, #tpu.memory_space<vmem_shared>>) dst(%arg15 : memref<80x128xf32, #tpu.memory_space<vmem>>)
      %mul3A_53 = arith.constant 5120 : i32
      %mul3A_54 = arith.muli %arg0, %mul3A_53 : i32
      %mul3A_55 = arith.constant 320 : i32
      %mul3A_56 = arith.muli %arg1, %mul3A_55 : i32
      %add3A_57 = arith.addi %mul3A_54, %mul3A_56 : i32
      %mul3A_58 = arith.constant 80 : i32
      %mul3A_59 = arith.muli %scan3A_36, %mul3A_58 : i32
      %add3A_60 = arith.addi %add3A_57, %mul3A_59 : i32
      "tpu.region"() ({
        %run_scoped3A = tpu.sem_alloc : memref<!tpu.dma_semaphore, #tpu.memory_space<semaphore_mem>>
        %dma_start3A_61 = arith.constant 0 : i32
        %dma_start3A_62 = tpu.memref_slice %arg5[%add3A_60, %dma_start3A_61] : memref<10240x128xf32, #tpu.memory_space<hbm>> -> memref<80x128xf32, #tpu.memory_space<hbm>>
        %dma_start3A_63 = arith.constant 0 : i32
        %dma_start3A_64 = tpu.memref_slice %arg5[%add3A_60, %dma_start3A_63] : memref<10240x128xf32, #tpu.memory_space<hbm>> -> memref<80x128xf32, #tpu.memory_space<hbm>>
        tpu.enqueue_dma source(%arg15 : memref<80x128xf32, #tpu.memory_space<vmem>>) target(%dma_start3A_64 : memref<80x128xf32, #tpu.memory_space<hbm>>) target_semaphore(%run_scoped3A : memref<!tpu.dma_semaphore, #tpu.memory_space<semaphore_mem>>)
        %dma_wait3A_65 = arith.constant 0 : i32
        %dma_wait3A_66 = tpu.memref_slice %arg5[%add3A_60, %dma_wait3A_65] : memref<10240x128xf32, #tpu.memory_space<hbm>> -> memref<80x128xf32, #tpu.memory_space<hbm>>
        %dma_wait3A_67 = arith.constant 0 : i32
        %dma_wait3A_68 = tpu.memref_slice %arg5[%add3A_60, %dma_wait3A_67] : memref<10240x128xf32, #tpu.memory_space<hbm>> -> memref<80x128xf32, #tpu.memory_space<hbm>>
        tpu.wait_dma2 semaphore(%run_scoped3A : memref<!tpu.dma_semaphore, #tpu.memory_space<semaphore_mem>>) src(%arg15 : memref<80x128xf32, #tpu.memory_space<vmem>>) dst(%dma_wait3A_68 : memref<80x128xf32, #tpu.memory_space<hbm>>)
        tpu.yield
      }) : () -> ()
    }
    %scan3A_35 = arith.constant 4 : i32
    return
  }
}

module attributes {stable_mosaic.version = 14 : i64} {
  func.func @_tc_norm_body(%arg0: i32, %arg1: memref<1024x128xf32, #tpu.memory_space<vmem>>, %arg2: memref<1024x128xf32, #tpu.memory_space<vmem>>) attributes {dimension_semantics = [#tpu.dimension_semantics<arbitrary>], iteration_bounds = array<i64: 10>, scalar_prefetch = 0 : i64, scratch_operands = 0 : i64, tpu.core_type = #tpu.core_type<tc>, window_params = [{transform_indices = @transform_0, window_bounds = array<i64: 1024, 128>}, {transform_indices = @transform_1, window_bounds = array<i64: 1024, 128>}]} {
    %get3A = arith.constant 0 : index
    %get3A_0 = arith.constant 0 : index
    %get3A_1 = vector.load %arg1[%get3A, %get3A_0] : memref<1024x128xf32, #tpu.memory_space<vmem>>, vector<1024x128xf32>
    %mul3A = arith.mulf %get3A_1, %get3A_1 : vector<1024x128xf32>
    %reduce_sum3A = arith.constant dense<0.000000e+00> : vector<1024xf32>
    %reduce_sum3A_2 = vector.multi_reduction <add>, %mul3A, %reduce_sum3A [1] : vector<1024x128xf32> to vector<1024xf32>
    %broadcast_in_dim3A = vector.shape_cast %reduce_sum3A_2 : vector<1024xf32> to vector<1024x1xf32>
    %sqrt3A = math.sqrt %broadcast_in_dim3A : vector<1024x1xf32>
    %max3A = arith.constant 9.99999996E-13 : f32
    %max3A_3 = vector.broadcast %max3A : f32 to vector<1024x1xf32>
    %max3A_4 = arith.maximumf %sqrt3A, %max3A_3 : vector<1024x1xf32>
    %div3A = vector.broadcast %max3A_4 : vector<1024x1xf32> to vector<1024x128xf32>
    %div3A_5 = arith.divf %get3A_1, %div3A : vector<1024x128xf32>
    %swap3A = arith.constant 0 : index
    %swap3A_6 = arith.constant 0 : index
    %swap3A_7 = vector.load %arg2[%swap3A, %swap3A_6] : memref<1024x128xf32, #tpu.memory_space<vmem>>, vector<1024x128xf32>
    tpu.vector_store %arg2[%swap3A, %swap3A_6], %div3A_5 {strides = array<i32>} : memref<1024x128xf32, #tpu.memory_space<vmem>>, vector<1024x128xf32>,
    return
  }
  func.func @transform_0(%arg0: i32) -> (i32, i32) {
    %c0_i32 = arith.constant 0 : i32
    %c0_i32_0 = arith.constant 0 : i32
    return %arg0, %c0_i32 : i32, i32
  }
  func.func @transform_1(%arg0: i32) -> (i32, i32) {
    %c0_i32 = arith.constant 0 : i32
    %c0_i32_0 = arith.constant 0 : i32
    return %arg0, %c0_i32 : i32, i32
  }
}

module attributes {stable_mosaic.version = 14 : i64} {
  func.func @_tc_update_body(%arg0: i32, %arg1: memref<1024x128xf32, #tpu.memory_space<vmem>>, %arg2: memref<1024x16xf32, #tpu.memory_space<vmem>>, %arg3: memref<1024x128xf32, #tpu.memory_space<vmem>>, %arg4: memref<128x128xf32, #tpu.memory_space<vmem>>, %arg5: memref<1x128xf32, #tpu.memory_space<vmem>>, %arg6: memref<128x128xf32, #tpu.memory_space<vmem>>, %arg7: memref<1x128xf32, #tpu.memory_space<vmem>>, %arg8: memref<1024x128xf32, #tpu.memory_space<vmem>>, %arg9: memref<1024x128xf32, #tpu.memory_space<vmem>>) attributes {dimension_semantics = [#tpu.dimension_semantics<arbitrary>], iteration_bounds = array<i64: 10>, scalar_prefetch = 0 : i64, scratch_operands = 0 : i64, tpu.core_type = #tpu.core_type<tc>, window_params = [{transform_indices = @transform_0, window_bounds = array<i64: 1024, 128>}, {transform_indices = @transform_1, window_bounds = array<i64: 1024, 16>}, {transform_indices = @transform_2, window_bounds = array<i64: 1024, 128>}, {pipeline_mode = #tpu.pipeline_mode<synchronous>, transform_indices = @transform_3, window_bounds = array<i64: 128, 128>}, {pipeline_mode = #tpu.pipeline_mode<synchronous>, transform_indices = @transform_4, window_bounds = array<i64: 1, 128>}, {pipeline_mode = #tpu.pipeline_mode<synchronous>, transform_indices = @transform_5, window_bounds = array<i64: 128, 128>}, {pipeline_mode = #tpu.pipeline_mode<synchronous>, transform_indices = @transform_6, window_bounds = array<i64: 1, 128>}, {transform_indices = @transform_7, window_bounds = array<i64: 1024, 128>}, {transform_indices = @transform_8, window_bounds = array<i64: 1024, 128>}]} {
    %get3A = arith.constant 0 : index
    %get3A_0 = arith.constant 0 : index
    %get3A_1 = vector.load %arg2[%get3A, %get3A_0] : memref<1024x16xf32, #tpu.memory_space<vmem>>, vector<1024x1xf32>
    %get3A_2 = arith.constant 0 : index
    %get3A_3 = arith.constant 0 : index
    %get3A_4 = vector.load %arg1[%get3A_2, %get3A_3] : memref<1024x128xf32, #tpu.memory_space<vmem>>, vector<1024x128xf32>
    %max3A = arith.constant 1.000000e+00 : f32
    %max3A_5 = vector.broadcast %max3A : f32 to vector<1024x1xf32>
    %max3A_6 = arith.maximumf %get3A_1, %max3A_5 : vector<1024x1xf32>
    %div3A = vector.broadcast %max3A_6 : vector<1024x1xf32> to vector<1024x128xf32>
    %div3A_7 = arith.divf %get3A_4, %div3A : vector<1024x128xf32>
    %get3A_8 = arith.constant 0 : index
    %get3A_9 = arith.constant 0 : index
    %get3A_10 = vector.load %arg4[%get3A_8, %get3A_9] : memref<128x128xf32, #tpu.memory_space<vmem>>, vector<128x128xf32>
    %dot_general3A = arith.constant dense<0.000000e+00> : vector<1024x128xf32>
    %dot_general3A_11 = tpu.matmul %div3A_7, %get3A_10, %dot_general3A {dimension_numbers = #tpu.dot_dimension_numbers<[1], [1], [0], [0], [0, 0, 1, 0], [], []>, transpose_lhs_hint = false} : vector<1024x128xf32>, vector<128x128xf32>, vector<1024x128xf32> -> vector<1024x128xf32>
    %get3A_12 = arith.constant 0 : index
    %get3A_13 = arith.constant 0 : index
    %get3A_14 = vector.load %arg5[%get3A_12, %get3A_13] : memref<1x128xf32, #tpu.memory_space<vmem>>, vector<1x128xf32>
    %add3A = vector.broadcast %get3A_14 : vector<1x128xf32> to vector<1024x128xf32>
    %add3A_15 = arith.addf %dot_general3A_11, %add3A : vector<1024x128xf32>
    %max3A_16 = arith.constant 0.000000e+00 : f32
    %max3A_17 = vector.broadcast %max3A_16 : f32 to vector<1024x128xf32>
    %max3A_18 = arith.maximumf %add3A_15, %max3A_17 : vector<1024x128xf32>
    %get3A_19 = arith.constant 0 : index
    %get3A_20 = arith.constant 0 : index
    %get3A_21 = vector.load %arg3[%get3A_19, %get3A_20] : memref<1024x128xf32, #tpu.memory_space<vmem>>, vector<1024x128xf32>
    %get3A_22 = arith.constant 0 : index
    %get3A_23 = arith.constant 0 : index
    %get3A_24 = vector.load %arg6[%get3A_22, %get3A_23] : memref<128x128xf32, #tpu.memory_space<vmem>>, vector<128x128xf32>
    %dot_general3A_25 = arith.constant dense<0.000000e+00> : vector<1024x128xf32>
    %dot_general3A_26 = tpu.matmul %get3A_21, %get3A_24, %dot_general3A_25 {dimension_numbers = #tpu.dot_dimension_numbers<[1], [1], [0], [0], [0, 0, 1, 0], [], []>, transpose_lhs_hint = false} : vector<1024x128xf32>, vector<128x128xf32>, vector<1024x128xf32> -> vector<1024x128xf32>
    %get3A_27 = arith.constant 0 : index
    %get3A_28 = arith.constant 0 : index
    %get3A_29 = vector.load %arg7[%get3A_27, %get3A_28] : memref<1x128xf32, #tpu.memory_space<vmem>>, vector<1x128xf32>
    %add3A_30 = vector.broadcast %get3A_29 : vector<1x128xf32> to vector<1024x128xf32>
    %add3A_31 = arith.addf %dot_general3A_26, %add3A_30 : vector<1024x128xf32>
    %gt3A = arith.constant 0.000000e+00 : f32
    %gt3A_32 = vector.broadcast %gt3A : f32 to vector<1024x1xf32>
    %gt3A_33 = arith.cmpf ogt, %get3A_1, %gt3A_32 : vector<1024x1xf32>
    %mul3A = arith.constant 5.000000e-01 : f32
    %mul3A_34 = vector.broadcast %mul3A : f32 to vector<1024x128xf32>
    %mul3A_35 = arith.mulf %mul3A_34, %max3A_18 : vector<1024x128xf32>
    %mul3A_36 = arith.constant 5.000000e-01 : f32
    %mul3A_37 = vector.broadcast %mul3A_36 : f32 to vector<1024x128xf32>
    %mul3A_38 = arith.mulf %mul3A_37, %add3A_31 : vector<1024x128xf32>
    %add3A_39 = arith.addf %mul3A_35, %mul3A_38 : vector<1024x128xf32>
    %broadcast_in_dim3A = vector.shape_cast %gt3A_33 : vector<1024x1xi1> to vector<1024x1xi1>
    %broadcast_in_dim3A_40 = vector.broadcast %broadcast_in_dim3A : vector<1024x1xi1> to vector<1024x128xi1>
    %select_n3A = arith.select %broadcast_in_dim3A_40, %add3A_39, %get3A_21 : vector<1024x128xi1>, vector<1024x128xf32>
    %swap3A = arith.constant 0 : index
    %swap3A_41 = arith.constant 0 : index
    %swap3A_42 = vector.load %arg8[%swap3A, %swap3A_41] : memref<1024x128xf32, #tpu.memory_space<vmem>>, vector<1024x128xf32>
    tpu.vector_store %arg8[%swap3A, %swap3A_41], %select_n3A {strides = array<i32>} : memref<1024x128xf32, #tpu.memory_space<vmem>>, vector<1024x128xf32>,
    %mul3A_43 = arith.mulf %select_n3A, %select_n3A : vector<1024x128xf32>
    %reduce_sum3A = arith.constant dense<0.000000e+00> : vector<1024xf32>
    %reduce_sum3A_44 = vector.multi_reduction <add>, %mul3A_43, %reduce_sum3A [1] : vector<1024x128xf32> to vector<1024xf32>
    %broadcast_in_dim3A_45 = vector.shape_cast %reduce_sum3A_44 : vector<1024xf32> to vector<1024x1xf32>
    %sqrt3A = math.sqrt %broadcast_in_dim3A_45 : vector<1024x1xf32>
    %max3A_46 = arith.constant 9.99999996E-13 : f32
    %max3A_47 = vector.broadcast %max3A_46 : f32 to vector<1024x1xf32>
    %max3A_48 = arith.maximumf %sqrt3A, %max3A_47 : vector<1024x1xf32>
    %div3A_49 = vector.broadcast %max3A_48 : vector<1024x1xf32> to vector<1024x128xf32>
    %div3A_50 = arith.divf %select_n3A, %div3A_49 : vector<1024x128xf32>
    %swap3A_51 = arith.constant 0 : index
    %swap3A_52 = arith.constant 0 : index
    %swap3A_53 = vector.load %arg9[%swap3A_51, %swap3A_52] : memref<1024x128xf32, #tpu.memory_space<vmem>>, vector<1024x128xf32>
    tpu.vector_store %arg9[%swap3A_51, %swap3A_52], %div3A_50 {strides = array<i32>} : memref<1024x128xf32, #tpu.memory_space<vmem>>, vector<1024x128xf32>,
    return
  }
  func.func @transform_0(%arg0: i32) -> (i32, i32) {
    %c0_i32 = arith.constant 0 : i32
    %c0_i32_0 = arith.constant 0 : i32
    return %arg0, %c0_i32 : i32, i32
  }
  func.func @transform_1(%arg0: i32) -> (i32, i32) {
    %c0_i32 = arith.constant 0 : i32
    %c0_i32_0 = arith.constant 0 : i32
    return %arg0, %c0_i32 : i32, i32
  }
  func.func @transform_2(%arg0: i32) -> (i32, i32) {
    %c0_i32 = arith.constant 0 : i32
    %c0_i32_0 = arith.constant 0 : i32
    return %arg0, %c0_i32 : i32, i32
  }
  func.func @transform_3(%arg0: i32) -> (i32, i32) {
    %c0_i32 = arith.constant 0 : i32
    %c0_i32_0 = arith.constant 0 : i32
    %c0_i32_1 = arith.constant 0 : i32
    return %c0_i32, %c0_i32_0 : i32, i32
  }
  func.func @transform_4(%arg0: i32) -> (i32, i32) {
    %c0_i32 = arith.constant 0 : i32
    %c0_i32_0 = arith.constant 0 : i32
    %c0_i32_1 = arith.constant 0 : i32
    return %c0_i32, %c0_i32_0 : i32, i32
  }
  func.func @transform_5(%arg0: i32) -> (i32, i32) {
    %c0_i32 = arith.constant 0 : i32
    %c0_i32_0 = arith.constant 0 : i32
    %c0_i32_1 = arith.constant 0 : i32
    return %c0_i32, %c0_i32_0 : i32, i32
  }
  func.func @transform_6(%arg0: i32) -> (i32, i32) {
    %c0_i32 = arith.constant 0 : i32
    %c0_i32_0 = arith.constant 0 : i32
    %c0_i32_1 = arith.constant 0 : i32
    return %c0_i32, %c0_i32_0 : i32, i32
  }
  func.func @transform_7(%arg0: i32) -> (i32, i32) {
    %c0_i32 = arith.constant 0 : i32
    %c0_i32_0 = arith.constant 0 : i32
    return %arg0, %c0_i32 : i32, i32
  }
  func.func @transform_8(%arg0: i32) -> (i32, i32) {
    %c0_i32 = arith.constant 0 : i32
    %c0_i32_0 = arith.constant 0 : i32
    return %arg0, %c0_i32 : i32, i32
  }
}

</mosaic_0001>

<sc_bundles>
// kernel: closed_call.16.cloned.1.call-start
scs
__scs_entry_jumppad:
0x0: {  	(pc) =	sbr.rel $0x88, $3  }
0x1: {  	(tag) =	ssettag $0x0;
	lr =	simm.s32 $0x1  }
0x2: {  	[smem:$0x3F96] =	sst lr;
	_ =	strace $0xD0000000  }
0x3: {  	_ = 	snop  }
0x4: {  	_ = 	snop  }
0x5: {  	_ = 	snop  }
0x6: {  	_ = 	snop  }
0x7: {  	_ = 	snop  }
__scs_overlays_trampoline_lowered:
0x8: {  	[smem:$0x3FA5] =	sst s0  }
0x9: {  	[smem:$0x3FA6] =	sst s1  }
0xa: {  	[smem:$0x3FA7] =	sst s2  }
0xb: {  	[smem:$0x3FA8] =	sst s3  }
0xc: {  	[smem:$0x3FA9] =	sst s4  }
0xd: {  	[smem:$0x3FAA] =	sst s5  }
0xe: {  	[smem:$0x3FAB] =	sst s6  }
0xf: {  	[smem:$0x3FAC] =	sst s7  }
0x10: {  	[smem:$0x3FAD] =	sst s8  }
0x11: {  	[smem:$0x3FAE] =	sst s9;
	s0 =	simm.s32 @!p0 $0x0  }
0x12: {  	s1 =	sld [smem:$0x3F94];
	s0 =	simm.s32 @p0 $0x1  }
0x13: {  	[smem:$0x3FAF] =	sst s0;
	s0 =	simm.s32 @!p1 $0x0  }
0x14: {  	s2 =	sld [smem:$0x3F93];
	s0 =	simm.s32 @p1 $0x1  }
0x15: {  	[smem:$0x3FB0] =	sst s0;
	s0 =	simm.s32 @!p2 $0x0  }
0x16: {  	s3 =	sld [smem:$0x3FDB];
	s0 =	simm.s32 @p2 $0x1  }
0x17: {  	s4 =	simm.s32 $0x1BF5;
	[smem:$0x3FB2] =	sst s0  }
0x18: {  	s0 =	sld [smem:$0x3F95];
	_ =	swait.ge [sflag:s4], $0x0  }
0x19: {  	s7 =	sld [smem:$0x3F96]  }
0x1a: {  	s8 =	sadd.s32 $0xFFFFE003, lr  }
0x1b: {  	s9 =	sadd.s32 $0xFFFFFEF7, lr;
	s5 =	simm.s32 $0xFFFFFFFF;
	p2 =	slt.u32 s8, $0xFFFFF086  }
0x1c: {  	p1 =	slt.u32 s9, $0xF7A;
	s5 =	simm.s32 @!p2 $0x0  }
0x1d: {  	s5 =	simm.s32 @p1 $0x1;
	p0 =	seq.s32 s7, s2  }
0x1e: {  	s7 =	smul.u32 @!p0 $0xF7A, s2;
	p2 =	seq.s32 @!p0 s5, $0x0  }
0x1f: {  	s9 =	smul.u32 $0xF7A, s1;
	s8 =	simm.s32 @!p0 $0x1BF5;
	p2 =	por !p2, p0  }
0x20: {  	[sflag:s8] =	ssyncset.s32 @!p0 $0xFFFFF086;
	s6 =	sadd.s32 @!p0 s3, s7;
	s7 =	simm.s32 @!p0 $0x108  }
0x21: {  	s3 =	sadd.s32 s3, s9;
	s6 =	sadd.s32 @!p0 $0x88, s6;
	s7 =	simm.s32 @p2 $0x1082  }
0x22: {  	[simem:s7], [sflag:s8] =	dma.local @!p0 [hbm:s6], $0xF7A  }
0x23: {  	s9 =	sor.u32 $0xD0000000, s2;
	s6 =	simm.s32 $0x108;
	_ =	swait.ge @!p0 [sflag:s8], $0x0  }
0x24: {  	s3 =	sadd.s32 $0x88, s3;
	s6 =	simm.s32 @!p1 $0x1082;
	[sflag:s4] =	ssyncset.s32 $0xFFFFF086  }
0x25: {  	[simem:s6], [sflag:s4] =	dma.local [hbm:s3], $0xF7A  }
0x26: {  	[smem:$0x3F96] =	sst s1;
	(tag) =	ssettag s2;
	_ =	strace s9  }
0x27: {  	s1 =	sld [smem:$0x3FA6]  }
0x28: {  	s2 =	sld [smem:$0x3FA7]  }
0x29: {  	s4 =	sld [smem:$0x3FA9]  }
0x2a: {  	p0 =	seq.s32 s5, $0x0;
	s5 =	sld [smem:$0x3FAA]  }
0x2b: {  	s6 =	sld [smem:$0x3FAB]  }
0x2c: {  	s7 =	sld [smem:$0x3FAC]  }
0x2d: {  	s3 =	simm.s32 $0x108;
	s8 =	sld [smem:$0x3FAD]  }
0x2e: {  	s3 =	simm.s32 @!p0 $0x1082;
	s9 =	sld [smem:$0x3FAE]  }
0x2f: {  	lr =	sadd.s32 s0, s3;
	s0 =	sld [smem:$0x3FA5]  }
0x30: {  	s3 =	sld [smem:$0x3FA8]  }
0x31: {  	[smem:$0x3FB1] =	sst s10  }
0x32: {  	s10 =	sld [smem:$0x3FAF];
	_ =	sdelay $0x3  }
0x33: {  	p0 =	seq.s32 s10, $0x1;
	s10 =	sld [smem:$0x3FB1];
	_ =	sdelay $0x3  }
0x34: {  	[smem:$0x3FB1] =	sst s10  }
0x35: {  	s10 =	sld [smem:$0x3FB0];
	_ =	sdelay $0x3  }
0x36: {  	p1 =	seq.s32 s10, $0x1;
	s10 =	sld [smem:$0x3FB1];
	_ =	sdelay $0x3  }
0x37: {  	[smem:$0x3FB1] =	sst s10  }
0x38: {  	s10 =	sld [smem:$0x3FB2]  }
0x39: {  	_ = 	snop;
	(pc) =	sbr.ind lr, $3  }
0x3a: {  	_ = 	snop  }
0x3b: {  	_ = 	snop  }
0x3c: {  	p2 =	seq.s32 s10, $0x1;
	s10 =	sld [smem:$0x3FB1]  }
0x3d: {  	_ =	shalt  }
0x3e: {  	_ =	shalt  }
0x3f: {  	_ =	shalt  }
0x40: {  	_ =	shalt  }
0x41: {  	_ =	shalt  }
0x42: {  	_ =	shalt  }
0x43: {  	_ =	shalt  }
0x44: {  	_ =	shalt  }
0x45: {  	_ =	shalt  }
0x46: {  	_ =	shalt  }
0x47: {  	_ =	shalt  }
0x48: {  	_ =	shalt  }
0x49: {  	_ =	shalt  }
0x4a: {  	_ =	shalt  }
0x4b: {  	_ =	shalt  }
0x4c: {  	_ =	shalt  }
0x4d: {  	_ =	shalt  }
0x4e: {  	_ =	shalt  }
0x4f: {  	_ =	shalt  }
0x50: {  	_ =	shalt  }
0x51: {  	_ =	shalt  }
0x52: {  	_ =	shalt  }
0x53: {  	_ =	shalt  }
0x54: {  	_ =	shalt  }
0x55: {  	_ =	shalt  }
0x56: {  	_ =	shalt  }
0x57: {  	_ =	shalt  }
0x58: {  	_ =	shalt  }
0x59: {  	_ =	shalt  }
0x5a: {  	_ =	shalt  }
0x5b: {  	_ =	shalt  }
0x5c: {  	_ =	shalt  }
0x5d: {  	_ =	shalt  }
0x5e: {  	_ =	shalt  }
0x5f: {  	_ =	shalt  }
0x60: {  	_ =	shalt  }
0x61: {  	_ =	shalt  }
0x62: {  	_ =	shalt  }
0x63: {  	_ =	shalt  }
0x64: {  	_ =	shalt  }
0x65: {  	_ =	shalt  }
0x66: {  	_ =	shalt  }
0x67: {  	_ =	shalt  }
0x68: {  	_ =	shalt  }
0x69: {  	_ =	shalt  }
0x6a: {  	_ =	shalt  }
0x6b: {  	_ =	shalt  }
0x6c: {  	_ =	shalt  }
0x6d: {  	_ =	shalt  }
0x6e: {  	_ =	shalt  }
0x6f: {  	_ =	shalt  }
0x70: {  	_ =	shalt  }
0x71: {  	_ =	shalt  }
0x72: {  	_ =	shalt  }
0x73: {  	_ =	shalt  }
0x74: {  	_ =	shalt  }
0x75: {  	_ =	shalt  }
0x76: {  	_ =	shalt  }
0x77: {  	_ =	shalt  }
0x78: {  	_ =	shalt  }
0x79: {  	_ =	shalt  }
0x7a: {  	_ =	shalt  }
0x7b: {  	_ =	shalt  }
0x7c: {  	_ =	shalt  }
0x7d: {  	_ =	shalt  }
0x7e: {  	_ =	shalt  }
0x7f: {  	_ =	shalt  }
0x80: {  	_ =	shalt  }
0x81: {  	_ =	shalt  }
0x82: {  	_ =	shalt  }
0x83: {  	_ =	shalt  }
0x84: {  	_ =	shalt  }
0x85: {  	_ =	shalt  }
0x86: {  	_ =	shalt  }
0x87: {  	_ =	shalt  }
.Lfunc_end0:
.L_simem_size_0:
called_computation_lowered:
.L_overlay_start_0:
0x88: {  	s2 =	sld [smem:$0x3FD9]  }
0x89: {  	s3 =	sld [smem:$0x3FFE];
	_ =	sdelay $0x1  }
0x8a: {  	s1 =	srdreg.scid  }
0x8b: {  	s0 =	sand.u32 $0x1, s1  }
0x8c: {  	s17 =	sshll.u32 s0, $0xA;
	s2 =	sadd.s32 s3, s2  }
0x8d: {  	s2 =	sadd.s32 s2, s17  }
0x8e: {  	[smem:$0x3FBD] =	sst s2  }
0x8f: {  	_ = 	snop  }
0x90: {  	s2 =	sld [smem:$0x3FD0];
	(tm) =	ssettm $0x1  }
0x91: {  	s18 =	sld [smem:$0x3FFB];
	_ =	sdelay $0x3  }
0x92: {  	_ =	strace s18  }
0x93: {  	s3 =	sld [smem:$0x3FFC];
	_ =	sdelay $0x3  }
0x94: {  	_ =	strace s3  }
0x95: {  	s3 =	sld [smem:$0x3FFD];
	_ =	sdelay $0x3  }
0x96: {  	_ =	strace s3  }
0x97: {  	_ =	strace $0x8FFFFFFF  }
0x98: {  	s19 =	sld [smem:$0x3FDB];
	_ =	sdelay $0x1  }
0x99: {  	s4 =	simm.s32 $_scs_section_size  }
0x9a: {  	s5 =	simm.s32 $_size__tile_overlayer_lowered;
	s6 =	simm.s32 $_tile_overlayer_lowered  }
0x9b: {  	s22 =	simm.s32 $0x1BFF;
	s21 =	sshll.u32 s6, $0x1;
	s3 =	sadd.s32 s4, s19  }
0x9c: {  	s7 =	simm.s32 $0x0;
	s20 =	sshll.u32 s5, $0x1;
	s5 =	sadd.s32 s21, s3  }
0x9d: {  	[timem:s7], [sflag:s22] =	dma.local [hbm:s5], s20  }
0x9e: {  	_ =	swait.ge [sflag:s22], s20  }
0x9f: {  	s4 =	ssub.s32 $0x0, s20;
	[sflag:s22] =	ssyncset.done $0x0  }
0xa0: {  	[sflag:s22] =	ssyncadd.s32 s4;
	_ =	sdelay $0x1  }
0xa1: {  	s23 =	simm.s32 $0x1B8B  }
0xa2: {  	_ =	swait.ge [sflag:s23], $0x1  }
0xa3: {  	[sflag:s23] =	ssyncset.done $0x0  }
0xa4: {  	s25 =	simm.s32 $0x1B8E;
	s24 =	sld [smem:$0x3FFE];
	[sflag:s23] =	ssyncadd.s32 $0xFFFFFFFF  }
0xa5: {  	s26 =	simm.s32 $execute0_lowered;
	[smem:$0x3FD2] =	sst s25  }
0xa6: {  	s5 =	sshll.u32 s26, $0x1;
	_ =	strace $0x80000046;
	[dreg:$0x1] =	wrdreg $0xFFFFFFFF  }
0xa7: {  	s28 =	simm.s32 $_size_execute0_lowered;
	s3 =	sadd.s32 s3, s5;
	[dreg:$0x0] =	wrdreg $0x0  }
0xa8: {  	s5 =	sshll.u32 s28, $0x1;
	[dreg:$0x2] =	wrdreg s3  }
0xa9: {  	[dreg:$0x3] =	wrdreg s5  }
0xaa: {  	[dreg:$0x4] =	wrdreg $0xC0  }
0xab: {  	_ =	task [dreg:s7], $0x5FFFF  }
0xac: {  	[dreg:$0x1] =	wrdreg $0xFFFFFFFF  }
0xad: {  	[dreg:$0x0] =	wrdreg $0x60  }
0xae: {  	[dreg:$0x2] =	wrdreg s24  }
0xaf: {  	[dreg:$0x3] =	wrdreg s2  }
0xb0: {  	[dreg:$0x4] =	wrdreg $0x14A800  }
0xb1: {  	[dreg:$0x5] =	wrdreg $0x9  }
0xb2: {  	_ =	task.clear_ibuf [dreg:s7], $0x6FFFF;
	_ =	strace $0x90000046  }
0xb3: {  	s29 =	simm.s32 $0x9;
	_ =	strace $0x80000048  }
0xb4: {  	_ =	swait.ge [sflag:s29], $0x1  }
0xb5: {  	[sflag:s29] =	ssyncadd.s32 $0xFFFFFFFF  }
0xb6: {  	_ =	strace $0x90000048  }
0xb7: {  	_ =	sfence  }
0xb8: {  	s30 =	sld [smem:$0x0];
	_ =	sdelay $0x2  }
0xb9: {  	s31 =	sshll.u32 s1, $0xD;
	s1 =	sshrl.u32 s1, $0x2  }
0xba: {  	s3 =	sand.u32 $0x4000, s31;
	s1 =	sadd.s32 s1, s30  }
0xbb: {  	s0 =	sor.u32 s3, s0;
	s1 =	sshll.u32 s1, $0x11  }
0xbc: {  	s0 =	sor.u32 s1, s0  }
0xbd: {  	s0 =	sadd.s32 $0x8F2B, s0  }
0xbe: {  	[sflag:s0] =	ssyncadd.remote.s32 $0x1  }
0xbf: {  	_ =	sfence.sel $0xFFFF  }
0xc0: {  	[dreg:$0x0] =	wrdreg $0xFFFFFFFF;
	(pc) =	sbr.abs _section_cstart, $3  }
0xc1: {  	[dreg:$0x1] =	wrdreg $0xFFFFFFFF  }
0xc2: {  	_ =	task.clear_ibuf [dreg:s7], $0x2FFFF;
	_ =	strace $0x9FFFFFFF  }
0xc3: {  	(tm) =	ssettm $0x7FFFFFFF  }
tec
execute0_lowered:
.L_overlay_start_1:
0x0: {  	(tag) =	ssettag $0x1  }
0x1: {  	s5 =	rddreg [dreg:$0x0]  }
0x2: {  	s6 =	rddreg [dreg:$0x1]  }
0x3: {  	s2 =	rddreg [dreg:$0x2]  }
0x4: {  	s0 =	rddreg [dreg:$0x3];
	s3 =	simm.s32 $0x0  }
0x5: {  	s1 =	stileid.u32;
	s4 =	srdreg.scid;
	s14 =	simm.s32 $0x12280  }
0x6: {  	s15 =	simm.s32 $0x80;
	s16 =	simm.s32 $0xA000;
	s17 =	simm.s32 $0xA280  }
0x7: {  	s18 =	simm.s32 $0xA100;
	s19 =	simm.s32 $0xE280;
	s20 =	simm.s32 $0x1  }
0x8: {  	s21 =	simm.s32 $0xA080;
	s23 =	simm.s32 $0xA180;
	s7 =	smul.u32 $0xA00, s1  }
0x9: {  	s24 =	simm.s32 $0x0;
	s8 =	sand.u32 $0x1, s4;
	s13 =	smul.u32 $0x1400, s1  }
0xa: {  	[smem:$0x7FF] =	sst s3;
	s4 =	sadd.s32 $0xFDC00, s5;
	s10 =	smul.u32 $0x14000, s8  }
0xb: {  	_ =	strace $0x80000047;
	s11 =	ssub.s32 $0x2, s8;
	s22 =	smul.u32 $0x1400, s8  }
0xc: {  	s9 =	sadd.s32 s7, s5;
	s12 =	sshrl.u32 s11, $0x1;
	s6 =	sadd.s32 s6, s7  }
0xd: {  	s7 =	smul.u32 $0x140, s1;
	s10 =	sadd.s32 s10, s5;
	s11 =	ssub.s32 s11, s12  }
0xe: {  	s5 =	sadd.s32 $0xF3C00, s9;
	s12 =	simm.s32 $0x50;
	v0 =	vmov s22;
	s22 =	simm.s32 $0x2  }
0xf: {  	s31 =	sadd.s32 s13, s10;
	s8 =	smax.u32 s11, $0x1;
	s10 =	simm.s32 $0x3  }
0x10: {  	v1 =	vimm.f32 $0.0e+00;
	v2 =	vlaneseq.u32;
	s11 =	simm.s32 $0x5000;
	s13 =	simm.s32 $0xA200;
	s9 =	sadd.s32 $0x14DC00, s31  }
.LBB2_1:
0x11: {  	s25 =	sand.u32 $0xFE00, s3  }
0x12: {  	s26 =	sand.u32 $0x70, s3;
	s28 =	sshrl.u32 s25, $0x2  }
0x13: {  	s25 =	simm.s32 $0x40;
	s28 =	sor.u32 s26, s28;
	s26 =	simm.s32 $0x0  }
.LBB2_2:
0x14: {  	p0 =	sne.s32 s25, $0x9FC0  }
0x15: {  	[tilespmem:s28+$0x12280] =	vst v1;
	s26 =	sadd.s32 $0x10, s26;
	s28 =	smov.u32 s25;
	s25 =	sadd.s32 $0x40, s25  }
.Ltmp0:
0x16: {  	(pc) =	sbr.rel @p0 .LBB2_2-.Ltmp0, $4  }
0x17: {  	_ = 	snop  }
0x18: {  	s28 =	sand.u32 $0xFE00, s28  }
0x19: {  	s29 =	sand.u32 $0x70, s26;
	s28 =	sshrl.u32 s28, $0x2  }
0x1a: {  	s28 =	sor.u32 s29, s28  }
0x1b: {  	[tilespmem:s28+$0x12280] =	vst v1;
	s25 =	simm.s32 $0x0  }
0x1c: {  	[tilespmem:s25], [sflag:$0x3] =	stream.linear.gather [hbm4b:s5+s25], $0x4E80, $0x38;
	[tilespmem:$0x1EAC0] =	vst v63  }
0x1d: {  	_ =	swait.ge [sflag:s10], $0x4E80  }
0x1e: {  	[sflag:s10] =	ssyncset.done $0x0  }
0x1f: {  	[sflag:s10] =	ssyncadd.s32 $0xFFFFB180  }
0x20: {  	[tilespmem:s11], [sflag:$0x3] =	stream.linear.gather [hbm4b:s6+s25], $0x4E80, $0x38;
	[tilespmem:$0x1EAC0] =	vst v63  }
0x21: {  	_ =	swait.ge [sflag:s10], $0x4E80  }
0x22: {  	s30 =	sadd.s32 $0x0, s7;
	[sflag:s10] =	ssyncset.done $0x0  }
0x23: {  	v3 =	vor.u32 s30, v2;
	s31 =	sadd.s32 $0x30, s30;
	[sflag:s10] =	ssyncadd.s32 $0xFFFFB180  }
0x24: {  	s26 =	sadd.s32 $0x40, s30;
	v4 =	vor.u32 s31, v2;
	[tilespmem:$0xA200] =	vst v3  }
0x25: {  	s29 =	sadd.s32 $0x20, s30;
	v3 =	vor.u32 s26, v2;
	[tilespmem:$0xA230] =	vst v4  }
0x26: {  	s25 =	simm.s32 $0x50;
	s26 =	sadd.s32 $0x10, s30;
	[tilespmem:$0xA240] =	vst v3;
	v3 =	vor.u32 s29, v2  }
.LBB2_4:
0x27: {  	p0 =	sne.s32 s25, $0xF0;
	v4 =	vor.u32 s26, v2;
	[tilespmem:$0xA220] =	vst v3  }
0x28: {  	[tilespmem:$0xA210] =	vst v4;
	[spmem:s2] =	stream.indirect.scatter [tilespmem:s14], [sflag:$0x3], $0x80, s13, s12, $0xb8  }
0x29: {  	_ =	swait.ge [sflag:s10], $0x2800  }
.Ltmp1:
0x2a: {  	s26 =	sadd.s32 s25, s7;
	[sflag:s10] =	ssyncset.done $0x0;
	(pc) =	sbr.rel @p0 .LBB2_4-.Ltmp1, $4  }
0x2b: {  	v3 =	vor.u32 s26, v2;
	s28 =	sadd.s32 $0x40, s26;
	[sflag:s10] =	ssyncadd.s32 $0xFFFFD800  }
0x2c: {  	s29 =	sadd.s32 $0x30, s26;
	[tilespmem:$0xA200] =	vst v3;
	v3 =	vor.u32 s28, v2  }
0x2d: {  	v4 =	vor.u32 s29, v2;
	s28 =	sadd.s32 $0x20, s26;
	[tilespmem:$0xA240] =	vst v3  }
0x2e: {  	s25 =	sadd.s32 $0x50, s25;
	s26 =	sadd.s32 $0x10, s26;
	v3 =	vor.u32 s28, v2;
	[tilespmem:$0xA230] =	vst v4  }
0x2f: {  	v4 =	vor.u32 s26, v2;
	[tilespmem:$0xA220] =	vst v3  }
0x30: {  	[tilespmem:$0xA210] =	vst v4  }
0x31: {  	[spmem:s2] =	stream.indirect.scatter [tilespmem:s14], [sflag:$0x3], $0x80, s13, s12, $0xb8;
	[tilespmem:$0x1EAC0] =	vst v63  }
0x32: {  	_ =	swait.ge [sflag:s10], $0x2800  }
0x33: {  	[sflag:s10] =	ssyncset.done $0x0  }
0x34: {  	[sflag:s10] =	ssyncadd.s32 $0xFFFFD800  }
0x35: {  	[bflag:$0x0] =	sbarrier.arrive $0xFFFF  }
0x36: {  	v3 =	vld [tilespmem:$0x5000]  }
0x37: {  	v53 =	vld [tilespmem:$0x0]  }
0x38: {  	v5 =	vld [tilespmem:$0x5010]  }
0x39: {  	v6 =	vld [tilespmem:$0x10]  }
0x3a: {  	v7 =	vld [tilespmem:$0x5020]  }
0x3b: {  	v8 =	vld [tilespmem:$0x20];
	v3 =	vsub.s32 v3, v0  }
0x3c: {  	v54 =	vld [tilespmem:$0x5030];
	[tilespmem:$0xA000] =	vst v53;
	v3 =	vmin.u32 v3, $0x1400  }
0x3d: {  	v55 =	vld [tilespmem:$0x30];
	[tilespmem:$0xA080] =	vst v3;
	v3 =	vsub.s32 v5, v0  }
0x3e: {  	v56 =	vld [tilespmem:$0x5040];
	[tilespmem:$0xA010] =	vst v6;
	v3 =	vmin.u32 v3, $0x1400  }
0x3f: {  	v57 =	vld [tilespmem:$0x40];
	[tilespmem:$0xA090] =	vst v3;
	v3 =	vsub.s32 v7, v0  }
0x40: {  	v58 =	vld [tilespmem:$0x5050];
	[tilespmem:$0xA020] =	vst v8;
	v3 =	vmin.u32 v3, $0x1400  }
0x41: {  	v59 =	vld [tilespmem:$0x50];
	[tilespmem:$0xA0A0] =	vst v3;
	v3 =	vsub.s32 v54, v0  }
0x42: {  	v60 =	vld [tilespmem:$0x5060];
	[tilespmem:$0xA030] =	vst v55;
	v3 =	vmin.u32 v3, $0x1400  }
0x43: {  	v61 =	vld [tilespmem:$0x60];
	[tilespmem:$0xA0B0] =	vst v3;
	v3 =	vsub.s32 v56, v0  }
0x44: {  	v62 =	vld [tilespmem:$0x5070];
	[tilespmem:$0xA040] =	vst v57;
	v3 =	vmin.u32 v3, $0x1400  }
0x45: {  	v63 =	vld [tilespmem:$0x70];
	[tilespmem:$0xA0C0] =	vst v3;
	v3 =	vsub.s32 v58, v0  }
0x46: {  	[tilespmem:$0xA050] =	vst v59;
	v3 =	vmin.u32 v3, $0x1400  }
0x47: {  	[tilespmem:$0xA0D0] =	vst v3;
	v3 =	vsub.s32 v60, v0  }
0x48: {  	[tilespmem:$0xA060] =	vst v61;
	v3 =	vmin.u32 v3, $0x1400  }
0x49: {  	[tilespmem:$0xA0E0] =	vst v3;
	v3 =	vsub.s32 v62, v0  }
0x4a: {  	[tilespmem:$0xA070] =	vst v63;
	v3 =	vmin.u32 v3, $0x1400  }
0x4b: {  	s25 =	simm.s32 $0x0;
	[tilespmem:$0xA0F0] =	vst v3  }
0x4c: {  	[tilespmem:s17], [sflag:$0x1] =	stream.indirect.gather [hbm4b:s4+s15], $0x80, s16, s15, $0xb8;
	[tilespmem:$0x1EAC0] =	vst v63  }
0x4d: {  	v3 =	vld [tilespmem:s25+$0x80];
	_ =	sdelay $0x4  }
0x4e: {  	[tilespmem:$0xA100] =	vst v3  }
0x4f: {  	v3 =	vld [tilespmem:s25+$0x5080];
	_ =	sdelay $0x4  }
0x50: {  	v3 =	vsub.s32 v3, v0  }
0x51: {  	v3 =	vmin.u32 v3, $0x1400  }
0x52: {  	[tilespmem:$0xA180] =	vst v3  }
0x53: {  	v3 =	vld [tilespmem:s25+$0x90];
	_ =	sdelay $0x4  }
0x54: {  	[tilespmem:$0xA110] =	vst v3  }
0x55: {  	v3 =	vld [tilespmem:s25+$0x5090];
	_ =	sdelay $0x4  }
0x56: {  	v3 =	vsub.s32 v3, v0  }
0x57: {  	v3 =	vmin.u32 v3, $0x1400  }
0x58: {  	[tilespmem:$0xA190] =	vst v3  }
0x59: {  	v3 =	vld [tilespmem:s25+$0xA0];
	_ =	sdelay $0x4  }
0x5a: {  	[tilespmem:$0xA120] =	vst v3  }
0x5b: {  	v3 =	vld [tilespmem:s25+$0x50A0];
	_ =	sdelay $0x4  }
0x5c: {  	v3 =	vsub.s32 v3, v0  }
0x5d: {  	v3 =	vmin.u32 v3, $0x1400  }
0x5e: {  	[tilespmem:$0xA1A0] =	vst v3  }
0x5f: {  	v3 =	vld [tilespmem:s25+$0xB0];
	_ =	sdelay $0x4  }
0x60: {  	[tilespmem:$0xA130] =	vst v3  }
0x61: {  	v3 =	vld [tilespmem:s25+$0x50B0];
	_ =	sdelay $0x4  }
0x62: {  	v3 =	vsub.s32 v3, v0  }
0x63: {  	v3 =	vmin.u32 v3, $0x1400  }
0x64: {  	[tilespmem:$0xA1B0] =	vst v3  }
0x65: {  	v3 =	vld [tilespmem:s25+$0xC0];
	_ =	sdelay $0x4  }
0x66: {  	[tilespmem:$0xA140] =	vst v3  }
0x67: {  	v3 =	vld [tilespmem:s25+$0x50C0];
	_ =	sdelay $0x4  }
0x68: {  	v3 =	vsub.s32 v3, v0  }
0x69: {  	v3 =	vmin.u32 v3, $0x1400  }
0x6a: {  	[tilespmem:$0xA1C0] =	vst v3  }
0x6b: {  	v3 =	vld [tilespmem:s25+$0xD0];
	_ =	sdelay $0x4  }
0x6c: {  	[tilespmem:$0xA150] =	vst v3  }
0x6d: {  	v3 =	vld [tilespmem:s25+$0x50D0];
	_ =	sdelay $0x4  }
0x6e: {  	v3 =	vsub.s32 v3, v0  }
0x6f: {  	v3 =	vmin.u32 v3, $0x1400  }
0x70: {  	[tilespmem:$0xA1D0] =	vst v3  }
0x71: {  	v3 =	vld [tilespmem:s25+$0xE0];
	_ =	sdelay $0x4  }
0x72: {  	[tilespmem:$0xA160] =	vst v3  }
0x73: {  	v3 =	vld [tilespmem:s25+$0x50E0];
	_ =	sdelay $0x4  }
0x74: {  	v3 =	vsub.s32 v3, v0  }
0x75: {  	v3 =	vmin.u32 v3, $0x1400  }
0x76: {  	[tilespmem:$0xA1E0] =	vst v3  }
0x77: {  	v3 =	vld [tilespmem:s25+$0xF0];
	_ =	sdelay $0x4  }
0x78: {  	[tilespmem:$0xA170] =	vst v3  }
0x79: {  	v3 =	vld [tilespmem:s25+$0x50F0];
	_ =	sdelay $0x4  }
0x7a: {  	v3 =	vsub.s32 v3, v0  }
0x7b: {  	v3 =	vmin.u32 v3, $0x1400  }
0x7c: {  	[tilespmem:$0xA1F0] =	vst v3  }
0x7d: {  	[tilespmem:s19], [sflag:$0x2] =	stream.indirect.gather [hbm4b:s4+s15], $0x80, s18, s15, $0xb8;
	[tilespmem:$0x1EAC0] =	vst v63  }
0x7e: {  	_ =	swait.ge [sflag:s20], $0x4000  }
0x7f: {  	[sflag:s20] =	ssyncset.done $0x0  }
0x80: {  	[sflag:s20] =	ssyncadd.s32 $0xFFFFC000  }
0x81: {  	[spmem:s2] =	stream.indirect.scatter.add.f32 [tilespmem:s17], [sflag:$0x3], $0x80, s21, s15, $0xb8;
	[tilespmem:$0x1EAC0] =	vst v63  }
0x82: {  	_ =	swait.ge [sflag:s10], $0x4000  }
0x83: {  	[sflag:s10] =	ssyncset.done $0x0  }
0x84: {  	[sflag:s10] =	ssyncadd.s32 $0xFFFFC000  }
0x85: {  	v3 =	vld [tilespmem:s25+$0x100];
	_ =	sdelay $0x4  }
0x86: {  	[tilespmem:$0xA000] =	vst v3  }
0x87: {  	v3 =	vld [tilespmem:s25+$0x5100];
	_ =	sdelay $0x4  }
0x88: {  	v3 =	vsub.s32 v3, v0  }
0x89: {  	v3 =	vmin.u32 v3, $0x1400  }
0x8a: {  	[tilespmem:$0xA080] =	vst v3  }
0x8b: {  	v3 =	vld [tilespmem:s25+$0x110];
	_ =	sdelay $0x4  }
0x8c: {  	[tilespmem:$0xA010] =	vst v3  }
0x8d: {  	v3 =	vld [tilespmem:s25+$0x5110];
	_ =	sdelay $0x4  }
0x8e: {  	v3 =	vsub.s32 v3, v0  }
0x8f: {  	v3 =	vmin.u32 v3, $0x1400  }
0x90: {  	[tilespmem:$0xA090] =	vst v3  }
0x91: {  	v3 =	vld [tilespmem:s25+$0x120];
	_ =	sdelay $0x4  }
0x92: {  	[tilespmem:$0xA020] =	vst v3  }
0x93: {  	v3 =	vld [tilespmem:s25+$0x5120];
	_ =	sdelay $0x4  }
0x94: {  	v3 =	vsub.s32 v3, v0  }
0x95: {  	v3 =	vmin.u32 v3, $0x1400  }
0x96: {  	[tilespmem:$0xA0A0] =	vst v3  }
0x97: {  	v3 =	vld [tilespmem:s25+$0x130];
	_ =	sdelay $0x4  }
0x98: {  	[tilespmem:$0xA030] =	vst v3  }
0x99: {  	v3 =	vld [tilespmem:s25+$0x5130];
	_ =	sdelay $0x4  }
0x9a: {  	v3 =	vsub.s32 v3, v0  }
0x9b: {  	v3 =	vmin.u32 v3, $0x1400  }
0x9c: {  	[tilespmem:$0xA0B0] =	vst v3  }
0x9d: {  	v3 =	vld [tilespmem:s25+$0x140];
	_ =	sdelay $0x4  }
0x9e: {  	[tilespmem:$0xA040] =	vst v3  }
0x9f: {  	v3 =	vld [tilespmem:s25+$0x5140];
	_ =	sdelay $0x4  }
0xa0: {  	v3 =	vsub.s32 v3, v0  }
0xa1: {  	v3 =	vmin.u32 v3, $0x1400  }
0xa2: {  	[tilespmem:$0xA0C0] =	vst v3  }
0xa3: {  	v3 =	vld [tilespmem:s25+$0x150];
	_ =	sdelay $0x4  }
0xa4: {  	[tilespmem:$0xA050] =	vst v3  }
0xa5: {  	v3 =	vld [tilespmem:s25+$0x5150];
	_ =	sdelay $0x4  }
0xa6: {  	v3 =	vsub.s32 v3, v0  }
0xa7: {  	v3 =	vmin.u32 v3, $0x1400  }
0xa8: {  	[tilespmem:$0xA0D0] =	vst v3  }
0xa9: {  	v3 =	vld [tilespmem:s25+$0x160];
	_ =	sdelay $0x4  }
0xaa: {  	[tilespmem:$0xA060] =	vst v3  }
0xab: {  	v3 =	vld [tilespmem:s25+$0x5160];
	_ =	sdelay $0x4  }
0xac: {  	v3 =	vsub.s32 v3, v0  }
0xad: {  	v3 =	vmin.u32 v3, $0x1400  }
0xae: {  	[tilespmem:$0xA0E0] =	vst v3  }
0xaf: {  	v3 =	vld [tilespmem:s25+$0x170];
	_ =	sdelay $0x4  }
0xb0: {  	[tilespmem:$0xA070] =	vst v3  }
0xb1: {  	v3 =	vld [tilespmem:s25+$0x5170];
	_ =	sdelay $0x4  }
0xb2: {  	v3 =	vsub.s32 v3, v0  }
0xb3: {  	v3 =	vmin.u32 v3, $0x1400  }
0xb4: {  	[tilespmem:$0xA0F0] =	vst v3  }
0xb5: {  	[tilespmem:s17], [sflag:$0x1] =	stream.indirect.gather [hbm4b:s4+s15], $0x80, s16, s15, $0xb8;
	[tilespmem:$0x1EAC0] =	vst v63  }
0xb6: {  	_ =	swait.ge [sflag:s22], $0x4000  }
0xb7: {  	[sflag:s22] =	ssyncset.done $0x0  }
0xb8: {  	[sflag:s22] =	ssyncadd.s32 $0xFFFFC000  }
0xb9: {  	[spmem:s2] =	stream.indirect.scatter.add.f32 [tilespmem:s19], [sflag:$0x3], $0x80, s23, s15, $0xb8;
	[tilespmem:$0x1EAC0] =	vst v63  }
0xba: {  	_ =	swait.ge [sflag:s10], $0x4000  }
0xbb: {  	s29 =	simm.s32 $0x800;
	s25 =	simm.s32 $0x400;
	[sflag:s10] =	ssyncset.done $0x0  }
.LBB2_6:
0xbc: {  	s28 =	sshra.s32 s25, $0x2  }
0xbd: {  	[sflag:s10] =	ssyncadd.s32 $0xFFFFC000;
	s25 =	smov.u32 s29;
	s26 =	sadd.s32 $0x400, s29  }
0xbe: {  	p0 =	sne.s32 s29, $0x13400;
	v3 =	vld [tilespmem:s28+$0x80];
	_ =	sdelay $0x4  }
0xbf: {  	[tilespmem:$0xA100] =	vst v3  }
0xc0: {  	v3 =	vld [tilespmem:s28+$0x5080];
	_ =	sdelay $0x4  }
0xc1: {  	v3 =	vsub.s32 v3, v0  }
0xc2: {  	v3 =	vmin.u32 v3, $0x1400  }
0xc3: {  	[tilespmem:$0xA180] =	vst v3  }
0xc4: {  	v3 =	vld [tilespmem:s28+$0x90];
	_ =	sdelay $0x4  }
0xc5: {  	[tilespmem:$0xA110] =	vst v3  }
0xc6: {  	v3 =	vld [tilespmem:s28+$0x5090];
	_ =	sdelay $0x4  }
0xc7: {  	v3 =	vsub.s32 v3, v0  }
0xc8: {  	v3 =	vmin.u32 v3, $0x1400  }
0xc9: {  	[tilespmem:$0xA190] =	vst v3  }
0xca: {  	v3 =	vld [tilespmem:s28+$0xA0];
	_ =	sdelay $0x4  }
0xcb: {  	[tilespmem:$0xA120] =	vst v3  }
0xcc: {  	v3 =	vld [tilespmem:s28+$0x50A0];
	_ =	sdelay $0x4  }
0xcd: {  	v3 =	vsub.s32 v3, v0  }
0xce: {  	v3 =	vmin.u32 v3, $0x1400  }
0xcf: {  	[tilespmem:$0xA1A0] =	vst v3  }
0xd0: {  	v3 =	vld [tilespmem:s28+$0xB0];
	_ =	sdelay $0x4  }
0xd1: {  	[tilespmem:$0xA130] =	vst v3  }
0xd2: {  	v3 =	vld [tilespmem:s28+$0x50B0];
	_ =	sdelay $0x4  }
0xd3: {  	v3 =	vsub.s32 v3, v0  }
0xd4: {  	v3 =	vmin.u32 v3, $0x1400  }
0xd5: {  	[tilespmem:$0xA1B0] =	vst v3  }
0xd6: {  	v3 =	vld [tilespmem:s28+$0xC0];
	_ =	sdelay $0x4  }
0xd7: {  	[tilespmem:$0xA140] =	vst v3  }
0xd8: {  	v3 =	vld [tilespmem:s28+$0x50C0];
	_ =	sdelay $0x4  }
0xd9: {  	v3 =	vsub.s32 v3, v0  }
0xda: {  	v3 =	vmin.u32 v3, $0x1400  }
0xdb: {  	[tilespmem:$0xA1C0] =	vst v3  }
0xdc: {  	v3 =	vld [tilespmem:s28+$0xD0];
	_ =	sdelay $0x4  }
0xdd: {  	[tilespmem:$0xA150] =	vst v3  }
0xde: {  	v3 =	vld [tilespmem:s28+$0x50D0];
	_ =	sdelay $0x4  }
0xdf: {  	v3 =	vsub.s32 v3, v0  }
0xe0: {  	v3 =	vmin.u32 v3, $0x1400  }
0xe1: {  	[tilespmem:$0xA1D0] =	vst v3  }
0xe2: {  	v3 =	vld [tilespmem:s28+$0xE0];
	_ =	sdelay $0x4  }
0xe3: {  	[tilespmem:$0xA160] =	vst v3  }
0xe4: {  	v3 =	vld [tilespmem:s28+$0x50E0];
	_ =	sdelay $0x4  }
0xe5: {  	v3 =	vsub.s32 v3, v0  }
0xe6: {  	v3 =	vmin.u32 v3, $0x1400  }
0xe7: {  	[tilespmem:$0xA1E0] =	vst v3  }
0xe8: {  	v3 =	vld [tilespmem:s28+$0xF0];
	_ =	sdelay $0x4  }
0xe9: {  	[tilespmem:$0xA170] =	vst v3  }
0xea: {  	v3 =	vld [tilespmem:s28+$0x50F0];
	_ =	sdelay $0x4  }
0xeb: {  	v3 =	vsub.s32 v3, v0  }
0xec: {  	v3 =	vmin.u32 v3, $0x1400  }
0xed: {  	[tilespmem:$0xA1F0] =	vst v3  }
0xee: {  	[tilespmem:s19], [sflag:$0x2] =	stream.indirect.gather [hbm4b:s4+s15], $0x80, s18, s15, $0xb8;
	[tilespmem:$0x1EAC0] =	vst v63  }
0xef: {  	_ =	swait.ge [sflag:s20], $0x4000  }
0xf0: {  	[sflag:s20] =	ssyncset.done $0x0  }
0xf1: {  	[sflag:s20] =	ssyncadd.s32 $0xFFFFC000  }
0xf2: {  	[spmem:s2] =	stream.indirect.scatter.add.f32 [tilespmem:s17], [sflag:$0x3], $0x80, s21, s15, $0xb8;
	[tilespmem:$0x1EAC0] =	vst v63  }
0xf3: {  	_ =	swait.ge [sflag:s10], $0x4000  }
0xf4: {  	[sflag:s10] =	ssyncset.done $0x0  }
0xf5: {  	[sflag:s10] =	ssyncadd.s32 $0xFFFFC000  }
0xf6: {  	v3 =	vld [tilespmem:s28+$0x100];
	_ =	sdelay $0x4  }
0xf7: {  	[tilespmem:$0xA000] =	vst v3  }
0xf8: {  	v3 =	vld [tilespmem:s28+$0x5100];
	_ =	sdelay $0x4  }
0xf9: {  	v3 =	vsub.s32 v3, v0  }
0xfa: {  	v3 =	vmin.u32 v3, $0x1400  }
0xfb: {  	[tilespmem:$0xA080] =	vst v3  }
0xfc: {  	v3 =	vld [tilespmem:s28+$0x110];
	_ =	sdelay $0x4  }
0xfd: {  	[tilespmem:$0xA010] =	vst v3  }
0xfe: {  	v3 =	vld [tilespmem:s28+$0x5110];
	_ =	sdelay $0x4  }
0xff: {  	v3 =	vsub.s32 v3, v0  }
0x100: {  	v3 =	vmin.u32 v3, $0x1400  }
0x101: {  	[tilespmem:$0xA090] =	vst v3  }
0x102: {  	v3 =	vld [tilespmem:s28+$0x120];
	_ =	sdelay $0x4  }
0x103: {  	[tilespmem:$0xA020] =	vst v3  }
0x104: {  	v3 =	vld [tilespmem:s28+$0x5120];
	_ =	sdelay $0x4  }
0x105: {  	v3 =	vsub.s32 v3, v0  }
0x106: {  	v3 =	vmin.u32 v3, $0x1400  }
0x107: {  	[tilespmem:$0xA0A0] =	vst v3  }
0x108: {  	v3 =	vld [tilespmem:s28+$0x130];
	_ =	sdelay $0x4  }
0x109: {  	[tilespmem:$0xA030] =	vst v3  }
0x10a: {  	v3 =	vld [tilespmem:s28+$0x5130];
	_ =	sdelay $0x4  }
0x10b: {  	v3 =	vsub.s32 v3, v0  }
0x10c: {  	v3 =	vmin.u32 v3, $0x1400  }
0x10d: {  	[tilespmem:$0xA0B0] =	vst v3  }
0x10e: {  	v3 =	vld [tilespmem:s28+$0x140];
	_ =	sdelay $0x4  }
0x10f: {  	[tilespmem:$0xA040] =	vst v3  }
0x110: {  	v3 =	vld [tilespmem:s28+$0x5140];
	_ =	sdelay $0x4  }
0x111: {  	v3 =	vsub.s32 v3, v0  }
0x112: {  	v3 =	vmin.u32 v3, $0x1400  }
0x113: {  	[tilespmem:$0xA0C0] =	vst v3  }
0x114: {  	v3 =	vld [tilespmem:s28+$0x150];
	_ =	sdelay $0x4  }
0x115: {  	[tilespmem:$0xA050] =	vst v3  }
0x116: {  	v3 =	vld [tilespmem:s28+$0x5150];
	_ =	sdelay $0x4  }
0x117: {  	v3 =	vsub.s32 v3, v0  }
0x118: {  	v3 =	vmin.u32 v3, $0x1400  }
0x119: {  	[tilespmem:$0xA0D0] =	vst v3  }
0x11a: {  	v3 =	vld [tilespmem:s28+$0x160];
	_ =	sdelay $0x4  }
0x11b: {  	[tilespmem:$0xA060] =	vst v3  }
0x11c: {  	v3 =	vld [tilespmem:s28+$0x5160];
	_ =	sdelay $0x4  }
0x11d: {  	v3 =	vsub.s32 v3, v0  }
0x11e: {  	v3 =	vmin.u32 v3, $0x1400  }
0x11f: {  	[tilespmem:$0xA0E0] =	vst v3  }
0x120: {  	v3 =	vld [tilespmem:s28+$0x170];
	_ =	sdelay $0x4  }
0x121: {  	[tilespmem:$0xA070] =	vst v3  }
0x122: {  	v3 =	vld [tilespmem:s28+$0x5170];
	_ =	sdelay $0x4  }
0x123: {  	v3 =	vsub.s32 v3, v0  }
0x124: {  	v3 =	vmin.u32 v3, $0x1400  }
0x125: {  	[tilespmem:$0xA0F0] =	vst v3  }
0x126: {  	[tilespmem:s17], [sflag:$0x1] =	stream.indirect.gather [hbm4b:s4+s15], $0x80, s16, s15, $0xb8;
	[tilespmem:$0x1EAC0] =	vst v63  }
0x127: {  	_ =	swait.ge [sflag:s22], $0x4000  }
.Ltmp2:
0x128: {  	[sflag:s22] =	ssyncset.done $0x0;
	(pc) =	sbr.rel @p0 .LBB2_6-.Ltmp2, $4  }
0x129: {  	[sflag:s22] =	ssyncadd.s32 $0xFFFFC000  }
0x12a: {  	[spmem:s2] =	stream.indirect.scatter.add.f32 [tilespmem:s19], [sflag:$0x3], $0x80, s23, s15, $0xb8;
	[tilespmem:$0x1EAC0] =	vst v63  }
0x12b: {  	_ =	swait.ge [sflag:s10], $0x4000  }
0x12c: {  	s29 =	smov.u32 s26;
	[sflag:s10] =	ssyncset.done $0x0  }
0x12d: {  	s25 =	sshra.s32 s25, $0x2;
	[sflag:s10] =	ssyncadd.s32 $0xFFFFC000  }
0x12e: {  	v3 =	vld [tilespmem:s25+$0x80];
	_ =	sdelay $0x4  }
0x12f: {  	[tilespmem:$0xA100] =	vst v3  }
0x130: {  	v3 =	vld [tilespmem:s25+$0x5080];
	_ =	sdelay $0x4  }
0x131: {  	v3 =	vsub.s32 v3, v0  }
0x132: {  	v3 =	vmin.u32 v3, $0x1400  }
0x133: {  	[tilespmem:$0xA180] =	vst v3  }
0x134: {  	v3 =	vld [tilespmem:s25+$0x90];
	_ =	sdelay $0x4  }
0x135: {  	[tilespmem:$0xA110] =	vst v3  }
0x136: {  	v3 =	vld [tilespmem:s25+$0x5090];
	_ =	sdelay $0x4  }
0x137: {  	v3 =	vsub.s32 v3, v0  }
0x138: {  	v3 =	vmin.u32 v3, $0x1400  }
0x139: {  	[tilespmem:$0xA190] =	vst v3  }
0x13a: {  	v3 =	vld [tilespmem:s25+$0xA0];
	_ =	sdelay $0x4  }
0x13b: {  	[tilespmem:$0xA120] =	vst v3  }
0x13c: {  	v3 =	vld [tilespmem:s25+$0x50A0];
	_ =	sdelay $0x4  }
0x13d: {  	v3 =	vsub.s32 v3, v0  }
0x13e: {  	v3 =	vmin.u32 v3, $0x1400  }
0x13f: {  	[tilespmem:$0xA1A0] =	vst v3  }
0x140: {  	v3 =	vld [tilespmem:s25+$0xB0];
	_ =	sdelay $0x4  }
0x141: {  	[tilespmem:$0xA130] =	vst v3  }
0x142: {  	v3 =	vld [tilespmem:s25+$0x50B0];
	_ =	sdelay $0x4  }
0x143: {  	v3 =	vsub.s32 v3, v0  }
0x144: {  	v3 =	vmin.u32 v3, $0x1400  }
0x145: {  	[tilespmem:$0xA1B0] =	vst v3  }
0x146: {  	v3 =	vld [tilespmem:s25+$0xC0];
	_ =	sdelay $0x4  }
0x147: {  	[tilespmem:$0xA140] =	vst v3  }
0x148: {  	v3 =	vld [tilespmem:s25+$0x50C0];
	_ =	sdelay $0x4  }
0x149: {  	v3 =	vsub.s32 v3, v0  }
0x14a: {  	v3 =	vmin.u32 v3, $0x1400  }
0x14b: {  	[tilespmem:$0xA1C0] =	vst v3  }
0x14c: {  	v3 =	vld [tilespmem:s25+$0xD0];
	_ =	sdelay $0x4  }
0x14d: {  	[tilespmem:$0xA150] =	vst v3  }
0x14e: {  	v3 =	vld [tilespmem:s25+$0x50D0];
	_ =	sdelay $0x4  }
0x14f: {  	v3 =	vsub.s32 v3, v0  }
0x150: {  	v3 =	vmin.u32 v3, $0x1400  }
0x151: {  	[tilespmem:$0xA1D0] =	vst v3  }
0x152: {  	v3 =	vld [tilespmem:s25+$0xE0];
	_ =	sdelay $0x4  }
0x153: {  	[tilespmem:$0xA160] =	vst v3  }
0x154: {  	v3 =	vld [tilespmem:s25+$0x50E0];
	_ =	sdelay $0x4  }
0x155: {  	v3 =	vsub.s32 v3, v0  }
0x156: {  	v3 =	vmin.u32 v3, $0x1400  }
0x157: {  	[tilespmem:$0xA1E0] =	vst v3  }
0x158: {  	v3 =	vld [tilespmem:s25+$0xF0];
	_ =	sdelay $0x4  }
0x159: {  	[tilespmem:$0xA170] =	vst v3  }
0x15a: {  	v3 =	vld [tilespmem:s25+$0x50F0];
	_ =	sdelay $0x4  }
0x15b: {  	v3 =	vsub.s32 v3, v0  }
0x15c: {  	v3 =	vmin.u32 v3, $0x1400  }
0x15d: {  	[tilespmem:$0xA1F0] =	vst v3  }
0x15e: {  	[tilespmem:s19], [sflag:$0x2] =	stream.indirect.gather [hbm4b:s4+s15], $0x80, s18, s15, $0xb8;
	[tilespmem:$0x1EAC0] =	vst v63  }
0x15f: {  	_ =	swait.ge [sflag:s20], $0x4000  }
0x160: {  	[sflag:s20] =	ssyncset.done $0x0  }
0x161: {  	[sflag:s20] =	ssyncadd.s32 $0xFFFFC000  }
0x162: {  	[spmem:s2] =	stream.indirect.scatter.add.f32 [tilespmem:s17], [sflag:$0x3], $0x80, s21, s15, $0xb8;
	[tilespmem:$0x1EAC0] =	vst v63  }
0x163: {  	_ =	swait.ge [sflag:s10], $0x4000  }
0x164: {  	[sflag:s10] =	ssyncset.done $0x0  }
0x165: {  	[sflag:s10] =	ssyncadd.s32 $0xFFFFC000  }
0x166: {  	v3 =	vld [tilespmem:s25+$0x100];
	_ =	sdelay $0x4  }
0x167: {  	[tilespmem:$0xA000] =	vst v3  }
0x168: {  	v3 =	vld [tilespmem:s25+$0x5100];
	_ =	sdelay $0x4  }
0x169: {  	v3 =	vsub.s32 v3, v0  }
0x16a: {  	v3 =	vmin.u32 v3, $0x1400  }
0x16b: {  	[tilespmem:$0xA080] =	vst v3  }
0x16c: {  	v3 =	vld [tilespmem:s25+$0x110];
	_ =	sdelay $0x4  }
0x16d: {  	[tilespmem:$0xA010] =	vst v3  }
0x16e: {  	v3 =	vld [tilespmem:s25+$0x5110];
	_ =	sdelay $0x4  }
0x16f: {  	v3 =	vsub.s32 v3, v0  }
0x170: {  	v3 =	vmin.u32 v3, $0x1400  }
0x171: {  	[tilespmem:$0xA090] =	vst v3  }
0x172: {  	v3 =	vld [tilespmem:s25+$0x120];
	_ =	sdelay $0x4  }
0x173: {  	[tilespmem:$0xA020] =	vst v3  }
0x174: {  	v3 =	vld [tilespmem:s25+$0x5120];
	_ =	sdelay $0x4  }
0x175: {  	v3 =	vsub.s32 v3, v0  }
0x176: {  	v3 =	vmin.u32 v3, $0x1400  }
0x177: {  	[tilespmem:$0xA0A0] =	vst v3  }
0x178: {  	v3 =	vld [tilespmem:s25+$0x130];
	_ =	sdelay $0x4  }
0x179: {  	[tilespmem:$0xA030] =	vst v3  }
0x17a: {  	v3 =	vld [tilespmem:s25+$0x5130];
	_ =	sdelay $0x4  }
0x17b: {  	v3 =	vsub.s32 v3, v0  }
0x17c: {  	v3 =	vmin.u32 v3, $0x1400  }
0x17d: {  	[tilespmem:$0xA0B0] =	vst v3  }
0x17e: {  	v3 =	vld [tilespmem:s25+$0x140];
	_ =	sdelay $0x4  }
0x17f: {  	[tilespmem:$0xA040] =	vst v3  }
0x180: {  	v3 =	vld [tilespmem:s25+$0x5140];
	_ =	sdelay $0x4  }
0x181: {  	v3 =	vsub.s32 v3, v0  }
0x182: {  	v3 =	vmin.u32 v3, $0x1400  }
0x183: {  	[tilespmem:$0xA0C0] =	vst v3  }
0x184: {  	v3 =	vld [tilespmem:s25+$0x150];
	_ =	sdelay $0x4  }
0x185: {  	[tilespmem:$0xA050] =	vst v3  }
0x186: {  	v3 =	vld [tilespmem:s25+$0x5150];
	_ =	sdelay $0x4  }
0x187: {  	v3 =	vsub.s32 v3, v0  }
0x188: {  	v3 =	vmin.u32 v3, $0x1400  }
0x189: {  	[tilespmem:$0xA0D0] =	vst v3  }
0x18a: {  	v3 =	vld [tilespmem:s25+$0x160];
	_ =	sdelay $0x4  }
0x18b: {  	[tilespmem:$0xA060] =	vst v3  }
0x18c: {  	v3 =	vld [tilespmem:s25+$0x5160];
	_ =	sdelay $0x4  }
0x18d: {  	v3 =	vsub.s32 v3, v0  }
0x18e: {  	v3 =	vmin.u32 v3, $0x1400  }
0x18f: {  	[tilespmem:$0xA0E0] =	vst v3  }
0x190: {  	v3 =	vld [tilespmem:s25+$0x170];
	_ =	sdelay $0x4  }
0x191: {  	[tilespmem:$0xA070] =	vst v3  }
0x192: {  	v3 =	vld [tilespmem:s25+$0x5170];
	_ =	sdelay $0x4  }
0x193: {  	v3 =	vsub.s32 v3, v0  }
0x194: {  	v3 =	vmin.u32 v3, $0x1400  }
0x195: {  	[tilespmem:$0xA0F0] =	vst v3  }
0x196: {  	[tilespmem:s17], [sflag:$0x1] =	stream.indirect.gather [hbm4b:s4+s15], $0x80, s16, s15, $0xb8;
	[tilespmem:$0x1EAC0] =	vst v63  }
0x197: {  	_ =	swait.ge [sflag:s22], $0x4000  }
0x198: {  	[sflag:s22] =	ssyncset.done $0x0  }
0x199: {  	[sflag:s22] =	ssyncadd.s32 $0xFFFFC000  }
0x19a: {  	[spmem:s2] =	stream.indirect.scatter.add.f32 [tilespmem:s19], [sflag:$0x3], $0x80, s23, s15, $0xb8;
	[tilespmem:$0x1EAC0] =	vst v63  }
0x19b: {  	_ =	swait.ge [sflag:s10], $0x4000  }
0x19c: {  	[sflag:s10] =	ssyncset.done $0x0  }
0x19d: {  	[sflag:s10] =	ssyncadd.s32 $0xFFFFC000  }
0x19e: {  	_ =	swait.ge [sflag:s20], $0x4000  }
0x19f: {  	[sflag:s20] =	ssyncset.done $0x0  }
0x1a0: {  	[sflag:s20] =	ssyncadd.s32 $0xFFFFC000  }
0x1a1: {  	[spmem:s2] =	stream.indirect.scatter.add.f32 [tilespmem:s17], [sflag:$0x3], $0x80, s21, s15, $0xb8;
	[tilespmem:$0x1EAC0] =	vst v63  }
0x1a2: {  	_ =	swait.ge [sflag:s10], $0x4000  }
0x1a3: {  	[sflag:s10] =	ssyncset.done $0x0  }
0x1a4: {  	s30 =	sadd.s32 $0x0, s7;
	[sflag:s10] =	ssyncadd.s32 $0xFFFFC000  }
0x1a5: {  	s28 =	sadd.s32 $0x40, s30;
	v3 =	vor.u32 s30, v2;
	[bflag:$0x0] =	sbarrier.arrive $0xFFFF  }
0x1a6: {  	s26 =	sadd.s32 $0x10, s30;
	v4 =	vor.u32 s28, v2;
	[tilespmem:$0xA200] =	vst v3  }
0x1a7: {  	s31 =	sadd.s32 $0x30, s30;
	v3 =	vor.u32 s26, v2;
	[tilespmem:$0xA240] =	vst v4  }
0x1a8: {  	s25 =	sadd.s32 $0x20, s30;
	[tilespmem:$0xA210] =	vst v3;
	v3 =	vor.u32 s31, v2  }
0x1a9: {  	[tilespmem:$0xA230] =	vst v3;
	v3 =	vor.u32 s25, v2  }
0x1aa: {  	[tilespmem:$0xA220] =	vst v3  }
0x1ab: {  	[tilespmem:s14], [sflag:$0x1] =	stream.indirect.gather [spmem:s2], $0x80, s13, s12, $0xb8;
	[tilespmem:$0x1EAC0] =	vst v63  }
0x1ac: {  	_ =	swait.ge [sflag:s20], $0x2800  }
0x1ad: {  	s28 =	smov.u32 s9;
	[sflag:s20] =	ssyncset.done $0x0  }
0x1ae: {  	s26 =	sadd.s32 $0x500, s9;
	s25 =	simm.s32 $0x50;
	[sflag:s20] =	ssyncadd.s32 $0xFFFFD800  }
.LBB2_8:
0x1af: {  	[hbm4b:s28+s3] =	stream.linear.scatter [tilespmem:s14], [sflag:$0x3], $0x2800, $0x38;
	[tilespmem:$0x1EAC0] =	vst v63  }
0x1b0: {  	s29 =	smov.u32 s25;
	s28 =	smov.u32 s26  }
0x1b1: {  	p0 =	sne.s32 s25, $0xF0;
	s25 =	sadd.s32 $0x50, s25;
	_ =	swait.ge [sflag:s10], $0x2800  }
0x1b2: {  	s29 =	sadd.s32 s29, s7;
	[sflag:s10] =	ssyncset.done $0x0  }
0x1b3: {  	v3 =	vor.u32 s29, v2;
	s30 =	sadd.s32 $0x10, s29;
	s31 =	sadd.s32 $0x20, s29;
	[sflag:s10] =	ssyncadd.s32 $0xFFFFD800  }
0x1b4: {  	v4 =	vor.u32 s31, v2;
	[tilespmem:$0xA200] =	vst v3;
	v3 =	vor.u32 s30, v2;
	s30 =	sadd.s32 $0x30, s29;
	s29 =	sadd.s32 $0x40, s29  }
0x1b5: {  	[tilespmem:$0xA210] =	vst v3;
	v3 =	vor.u32 s30, v2;
	v5 =	vor.u32 s29, v2  }
0x1b6: {  	[tilespmem:$0xA230] =	vst v3  }
0x1b7: {  	[tilespmem:$0xA240] =	vst v5  }
.Ltmp3:
0x1b8: {  	[tilespmem:$0xA220] =	vst v4;
	(pc) =	sbr.rel @p0 .LBB2_8-.Ltmp3, $4  }
0x1b9: {  	[tilespmem:s14], [sflag:$0x1] =	stream.indirect.gather [spmem:s2], $0x80, s13, s12, $0xb8;
	[tilespmem:$0x1EAC0] =	vst v63  }
0x1ba: {  	_ =	swait.ge [sflag:s20], $0x2800  }
0x1bb: {  	[sflag:s20] =	ssyncset.done $0x0  }
0x1bc: {  	s26 =	sadd.s32 $0x500, s26;
	[sflag:s20] =	ssyncadd.s32 $0xFFFFD800  }
0x1bd: {  	s24 =	sadd.s32 $0x1, s24  }
0x1be: {  	p0 =	sne.s32 s24, s8  }
.Ltmp4:
0x1bf: {  	_ = 	snop;
	(pc) =	sbr.rel @p0 .LBB2_1-.Ltmp4, $4  }
0x1c0: {  	[hbm4b:s28+s3] =	stream.linear.scatter [tilespmem:s14], [sflag:$0x3], $0x2800, $0x38;
	[tilespmem:$0x1EAC0] =	vst v63  }
0x1c1: {  	_ =	swait.ge [sflag:s10], $0x2800  }
0x1c2: {  	[sflag:s10] =	ssyncset.done $0x0  }
0x1c3: {  	[sflag:s10] =	ssyncadd.s32 $0xFFFFD800  }
0x1c4: {  	_ =	sfence.sel $0x180000  }
0x1c5: {  	[bflag:$0x0] =	sbarrier.arrive $0xFFFF  }
0x1c6: {  	p0 =	sne.s32 s1, $0x0;
	_ =	strace $0x90000047  }
0x1c7: {  	s0 =	sadd.s32 @!p0 $0x100000, s0;
	[bflag:$0x2] =	sbarrier.arrive $0xFFFF  }
0x1c8: {  	[sflag:s0] =	ssyncadd.tile.s32 @!p0 $0x1;
	_ =	shalt  }
.Lfunc_end2:
_tile_overlayer_lowered:
.L_overlay_start_2:
0x1c9: {  	(tag) =	ssettag $0x2  }
0x1ca: {  	s0 =	rddreg [dreg:$0x0];
	s2 =	stileid.u32  }
0x1cb: {  	s1 =	rddreg [dreg:$0x1];
	p0 =	sne.s32 s2, $0x0  }
0x1cc: {  	s3 =	rddreg [dreg:$0x2];
	[bflag:$0x3] =	sbarrier.arrive $0xFFFF;
	s2 =	simm.s32 @!p0 $0x1C03  }
0x1cd: {  	[timem:s3], [sflag:s2] =	dma.local @!p0 [hbm:s0], s1  }
0x1ce: {  	s0 =	simm.s32 @!p0 $0x3  }
0x1cf: {  	_ =	swait.ge @!p0 [sflag:s0], s1  }
0x1d0: {  	s1 =	ssub.s32 @!p0 $0x0, s1;
	[sflag:s0] =	ssyncset.done @!p0 $0x0  }
0x1d1: {  	[sflag:s0] =	ssyncadd.s32 @!p0 s1  }
0x1d2: {  	[bflag:$0x3] =	sbarrier.arrive $0xFFFF  }
0x1d3: {  	_ =	shalt  }

</sc_bundles>
